<compile_context>
chip_gen: v7x
topology: tpu7x:2x2x1
jax: 0.10.2.dev20260603
libtpu: 0.0.44.dev20260713+nightly
codegen_flags: <defaults>
</compile_context>

<pallas_src>
import jax
import jax.numpy as jnp
from jax import lax
from jax.experimental import pallas as pl
from jax.experimental.pallas import tpu as pltpu
from jax.experimental.pallas import tpu_sc as plsc

N_FEATURES = 6
T = 0.001
B = 4096
L = 16
NC, NS = 2, 16
NW = NC * NS
BPW = B // NW
GROUPS = BPW // L
FIELDS = 10
SFW = 2 * L * N_FEATURES
AUX = 256
CHUNK = 2 * BPW


def _iconst(v):
    return jnp.full((L,), v, jnp.int32)


def _sc_body(phi_hbm, aux_hbm, out_hbm, phi_v, aux_v, tab_v, out_v, dma_sem):
    wid = lax.axis_index("s") * NC + lax.axis_index("c")

    copies = [
        pltpu.async_copy(
            phi_hbm.at[pl.ds(c * (2 * B) + wid * CHUNK, CHUNK)],
            phi_v.at[pl.ds(c * CHUNK, CHUNK)],
            dma_sem,
        )
        for c in range(FIELDS)
    ]
    pltpu.sync_copy(aux_hbm, aux_v)
    for cp in copies:
        cp.wait()

    iota = lax.iota(jnp.int32, L)
    wvec = [plsc.load_gather(aux_v, [_iconst(SFW + c)])
            for c in range(N_FEATURES)]

    cell6 = iota * 6
    v0 = jnp.zeros((L,), jnp.float32)
    v1 = jnp.zeros((L,), jnp.float32)
    for c in range(N_FEATURES):
        v0 = v0 + plsc.load_gather(aux_v, [cell6 + c]) * wvec[c]
        v1 = v1 + plsc.load_gather(aux_v, [cell6 + (96 + c)]) * wvec[c]
    m = jnp.maximum(v0, v1)
    e0 = jnp.exp((v0 - m) / T)
    e1 = jnp.exp((v1 - m) / T)
    tab_v[...] = (e0 * v0 + e1 * v1) / (e0 + e1)

    def group(g, carry):
        goff = pl.multiple_of(g * L, L)
        delta = []
        for p in range(2):
            off = pl.multiple_of(p * BPW + goff, L)
            pr = jnp.zeros((L,), jnp.float32)
            for c in range(N_FEATURES):
                f = phi_v[pl.ds(c * CHUNK + off, L)]
                pr = pr + f.astype(jnp.float32) * wvec[c]
            x_ss = phi_v[pl.ds(6 * CHUNK + off, L)]
            y_ss = phi_v[pl.ds(7 * CHUNK + off, L)]
            x_es = phi_v[pl.ds(8 * CHUNK + off, L)]
            y_es = phi_v[pl.ds(9 * CHUNK + off, L)]
            v_ss = plsc.load_gather(tab_v, [x_ss * 4 + y_ss])
            v_es = plsc.load_gather(tab_v, [x_es * 4 + y_es])
            delta.append(pr + v_es - v_ss)
        d = delta[0] - delta[1]
        out_v[pl.ds(goff, L)] = 1.0 / (1.0 + jnp.exp(-d))
        out_v[pl.ds(BPW + goff, L)] = 1.0 / (1.0 + jnp.exp(d))
        return carry

    lax.fori_loop(0, GROUPS, group, 0)

    base = wid * BPW
    pltpu.sync_copy(out_v.at[pl.ds(0, BPW)], out_hbm.at[pl.ds(base, BPW)])
    pltpu.sync_copy(out_v.at[pl.ds(BPW, BPW)],
                    out_hbm.at[pl.ds(B + base, BPW)])


@jax.jit
def kernel(phi, succ_feats, W):
    phi_phys = (phi.astype(jnp.int32)
                .transpose(2, 1, 0)
                .reshape(FIELDS, 2, NW, BPW)
                .transpose(0, 2, 1, 3)
                .reshape(FIELDS * 2 * B))
    aux = jnp.concatenate(
        [succ_feats.reshape(SFW), W.reshape(N_FEATURES),
         jnp.zeros((AUX - SFW - N_FEATURES,), jnp.float32)])

    mesh = plsc.VectorSubcoreMesh(core_axis_name="c", subcore_axis_name="s")
    run = pl.kernel(
        _sc_body,
        out_type=jax.ShapeDtypeStruct((2 * B,), jnp.float32),
        mesh=mesh,
        scratch_types=[
            pltpu.VMEM((FIELDS * CHUNK,), jnp.int32),
            pltpu.VMEM((AUX,), jnp.float32),
            pltpu.VMEM((L,), jnp.float32),
            pltpu.VMEM((CHUNK,), jnp.float32),
            pltpu.SemaphoreType.DMA,
        ],
        compiler_params=pltpu.CompilerParams(needs_layout_passes=False),
    )
    out_flat = run(phi_phys, aux)
    return out_flat.reshape(2, B, 1).transpose(1, 0, 2)

# --- scband reference (transcript-rebuilt; emitter-appended) ---
"""Pipeline reference for scband-reward-function-regret-32856499814607 (READ-ONLY COPY).

The authoritative reference and input builder live on the scoring server;
editing this copy changes nothing except your own understanding.
"""

import jax, jax.numpy as jnp
import numpy as np

N_FEATURES = 6
T = 0.001
RW = 1.0
V_STW = 1.0
V_S0W = 1.0


def _get_vals(succ_feats, W, cords):
    # cords: int[B, 2(x/y), 2(left/right)]
    x = cords[:, 0, :]  # [B, 2]
    y = cords[:, 1, :]  # [B, 2]
    sel = succ_feats[:, x, y]              # gather -> [A, B, 2, F]
    sel = jnp.transpose(sel, (1, 0, 2, 3))  # [B, A, 2, F]
    vs = jnp.einsum('bapf,of->bapo', sel, W)  # [B, A, 2, 1]
    sm = jax.nn.softmax(vs / T, axis=1)
    v = jnp.sum(sm * vs, axis=1)            # [B, 2, 1]
    return jnp.squeeze(v, axis=-1)          # [B, 2]


def _forward(succ_feats, W, phi):
    phi_f = phi.astype(jnp.float32)
    pr = jnp.einsum('bpf,of->bpo', phi_f[:, :, 0:N_FEATURES], W)[..., 0]  # [B, 2]
    ss_cords = jnp.stack([phi[:, :, N_FEATURES], phi[:, :, N_FEATURES + 1]], axis=1)  # [B,2,2]
    es_cords = jnp.stack([phi[:, :, N_FEATURES + 2], phi[:, :, N_FEATURES + 3]], axis=1)
    v_ss = _get_vals(succ_feats, W, ss_cords)  # [B, 2]
    v_es = _get_vals(succ_feats, W, es_cords)  # [B, 2]
    left_pr = pr[:, 0:1] * RW
    right_pr = pr[:, 1:2] * RW
    left_vf_ss = v_ss[:, 0:1] * V_S0W
    right_vf_ss = v_ss[:, 1:2] * V_S0W
    left_vf_es = v_es[:, 0:1] * V_STW
    right_vf_es = v_es[:, 1:2] * V_STW
    left_delta_er = left_pr + (left_vf_es - left_vf_ss)
    right_delta_er = right_pr + (right_vf_es - right_vf_ss)
    left_pred = jax.nn.sigmoid(left_delta_er - right_delta_er)
    right_pred = jax.nn.sigmoid(right_delta_er - left_delta_er)
    return jnp.stack([left_pred, right_pred], axis=1)  # [B, 2, 1]


def setup_inputs(seed: int = 0) -> dict:
    key = jax.random.key(seed)
    k1, k2, k3 = jax.random.split(key, 3)
    phi = jax.random.randint(k1, (4096, 2, 10), 0, 4)
    succ_feats = jax.random.normal(k2, (2, 4, 4, 6), dtype=jnp.float32)
    W = jax.random.normal(k3, (1, 6), dtype=jnp.float32) * 0.1
    return {"phi": phi, "succ_feats": succ_feats, "W": W}


def reference(phi, succ_feats, W):
    return _forward(succ_feats, W, phi)

if __name__ == "__main__":
    import jax
    _d = setup_inputs()
    print(jax.jit(kernel)(*tuple(_d.values())))

</pallas_src>

<mosaic_0001>
#map = affine_map<(d0, d1) -> (0)>
module attributes {stable_mosaic.version = 14 : i64} {
  func.func @_sc_body(%arg0: i32, %arg1: i32, %arg2: memref<81920xi32, #tpu.memory_space<hbm>>, %arg3: memref<256xf32, #tpu.memory_space<hbm>>, %arg4: memref<8192xf32, #tpu.memory_space<hbm>>, %arg5: memref<2560xi32, #tpu.memory_space<vmem>>, %arg6: memref<256xf32, #tpu.memory_space<vmem>>, %arg7: memref<16xf32, #tpu.memory_space<vmem>>, %arg8: memref<256xf32, #tpu.memory_space<vmem>>, %arg9: memref<!tpu.dma_semaphore, #tpu.memory_space<semaphore_mem>>) attributes {dimension_semantics = [#tpu.dimension_semantics<core_parallel>, #tpu.dimension_semantics<subcore_parallel>], iteration_bounds = array<i64: 2, 16>, scalar_prefetch = 0 : i64, scratch_operands = 5 : i64, tpu.core_type = #tpu.core_type<sc_vector_subcore>, window_params = [{transform_indices = #map}, {transform_indices = #map}, {transform_indices = #map}]} {
    %mul3A = arith.constant 2 : i32
    %mul3A_0 = arith.muli %arg1, %mul3A : i32
    %add3A = arith.addi %mul3A_0, %arg0 : i32
    %mul3A_1 = arith.constant 256 : i32
    %mul3A_2 = arith.muli %add3A, %mul3A_1 : i32
    %add3A_3 = arith.constant 0 : i32
    %add3A_4 = arith.addi %add3A_3, %mul3A_2 : i32
    %dma_start3A = arith.constant 0 : i32
    %dma_start3A_5 = tpu.memref_slice %arg5[%dma_start3A] : memref<2560xi32, #tpu.memory_space<vmem>> -> memref<256xi32, #tpu.memory_space<vmem>>
    %dma_start3A_6 = tpu.memref_slice %arg2[%add3A_4] : memref<81920xi32, #tpu.memory_space<hbm>> -> memref<256xi32, #tpu.memory_space<hbm>>
    %dma_start3A_7 = arith.constant 0 : i32
    %dma_start3A_8 = tpu.memref_slice %arg5[%dma_start3A_7] : memref<2560xi32, #tpu.memory_space<vmem>> -> memref<256xi32, #tpu.memory_space<vmem>>
    %dma_start3A_9 = tpu.memref_slice %arg2[%add3A_4] : memref<81920xi32, #tpu.memory_space<hbm>> -> memref<256xi32, #tpu.memory_space<hbm>>
    tpu.enqueue_dma source(%dma_start3A_9 : memref<256xi32, #tpu.memory_space<hbm>>) target(%dma_start3A_8 : memref<256xi32, #tpu.memory_space<vmem>>) target_semaphore(%arg9 : memref<!tpu.dma_semaphore, #tpu.memory_space<semaphore_mem>>)
    %mul3A_10 = arith.constant 256 : i32
    %mul3A_11 = arith.muli %add3A, %mul3A_10 : i32
    %add3A_12 = arith.constant 8192 : i32
    %add3A_13 = arith.addi %add3A_12, %mul3A_11 : i32
    %dma_start3A_14 = arith.constant 256 : i32
    %dma_start3A_15 = tpu.memref_slice %arg5[%dma_start3A_14] : memref<2560xi32, #tpu.memory_space<vmem>> -> memref<256xi32, #tpu.memory_space<vmem>>
    %dma_start3A_16 = tpu.memref_slice %arg2[%add3A_13] : memref<81920xi32, #tpu.memory_space<hbm>> -> memref<256xi32, #tpu.memory_space<hbm>>
    %dma_start3A_17 = arith.constant 256 : i32
    %dma_start3A_18 = tpu.memref_slice %arg5[%dma_start3A_17] : memref<2560xi32, #tpu.memory_space<vmem>> -> memref<256xi32, #tpu.memory_space<vmem>>
    %dma_start3A_19 = tpu.memref_slice %arg2[%add3A_13] : memref<81920xi32, #tpu.memory_space<hbm>> -> memref<256xi32, #tpu.memory_space<hbm>>
    tpu.enqueue_dma source(%dma_start3A_19 : memref<256xi32, #tpu.memory_space<hbm>>) target(%dma_start3A_18 : memref<256xi32, #tpu.memory_space<vmem>>) target_semaphore(%arg9 : memref<!tpu.dma_semaphore, #tpu.memory_space<semaphore_mem>>)
    %mul3A_20 = arith.constant 256 : i32
    %mul3A_21 = arith.muli %add3A, %mul3A_20 : i32
    %add3A_22 = arith.constant 16384 : i32
    %add3A_23 = arith.addi %add3A_22, %mul3A_21 : i32
    %dma_start3A_24 = arith.constant 512 : i32
    %dma_start3A_25 = tpu.memref_slice %arg5[%dma_start3A_24] : memref<2560xi32, #tpu.memory_space<vmem>> -> memref<256xi32, #tpu.memory_space<vmem>>
    %dma_start3A_26 = tpu.memref_slice %arg2[%add3A_23] : memref<81920xi32, #tpu.memory_space<hbm>> -> memref<256xi32, #tpu.memory_space<hbm>>
    %dma_start3A_27 = arith.constant 512 : i32
    %dma_start3A_28 = tpu.memref_slice %arg5[%dma_start3A_27] : memref<2560xi32, #tpu.memory_space<vmem>> -> memref<256xi32, #tpu.memory_space<vmem>>
    %dma_start3A_29 = tpu.memref_slice %arg2[%add3A_23] : memref<81920xi32, #tpu.memory_space<hbm>> -> memref<256xi32, #tpu.memory_space<hbm>>
    tpu.enqueue_dma source(%dma_start3A_29 : memref<256xi32, #tpu.memory_space<hbm>>) target(%dma_start3A_28 : memref<256xi32, #tpu.memory_space<vmem>>) target_semaphore(%arg9 : memref<!tpu.dma_semaphore, #tpu.memory_space<semaphore_mem>>)
    %mul3A_30 = arith.constant 256 : i32
    %mul3A_31 = arith.muli %add3A, %mul3A_30 : i32
    %add3A_32 = arith.constant 24576 : i32
    %add3A_33 = arith.addi %add3A_32, %mul3A_31 : i32
    %dma_start3A_34 = arith.constant 768 : i32
    %dma_start3A_35 = tpu.memref_slice %arg5[%dma_start3A_34] : memref<2560xi32, #tpu.memory_space<vmem>> -> memref<256xi32, #tpu.memory_space<vmem>>
    %dma_start3A_36 = tpu.memref_slice %arg2[%add3A_33] : memref<81920xi32, #tpu.memory_space<hbm>> -> memref<256xi32, #tpu.memory_space<hbm>>
    %dma_start3A_37 = arith.constant 768 : i32
    %dma_start3A_38 = tpu.memref_slice %arg5[%dma_start3A_37] : memref<2560xi32, #tpu.memory_space<vmem>> -> memref<256xi32, #tpu.memory_space<vmem>>
    %dma_start3A_39 = tpu.memref_slice %arg2[%add3A_33] : memref<81920xi32, #tpu.memory_space<hbm>> -> memref<256xi32, #tpu.memory_space<hbm>>
    tpu.enqueue_dma source(%dma_start3A_39 : memref<256xi32, #tpu.memory_space<hbm>>) target(%dma_start3A_38 : memref<256xi32, #tpu.memory_space<vmem>>) target_semaphore(%arg9 : memref<!tpu.dma_semaphore, #tpu.memory_space<semaphore_mem>>)
    %mul3A_40 = arith.constant 256 : i32
    %mul3A_41 = arith.muli %add3A, %mul3A_40 : i32
    %add3A_42 = arith.constant 32768 : i32
    %add3A_43 = arith.addi %add3A_42, %mul3A_41 : i32
    %dma_start3A_44 = arith.constant 1024 : i32
    %dma_start3A_45 = tpu.memref_slice %arg5[%dma_start3A_44] : memref<2560xi32, #tpu.memory_space<vmem>> -> memref<256xi32, #tpu.memory_space<vmem>>
    %dma_start3A_46 = tpu.memref_slice %arg2[%add3A_43] : memref<81920xi32, #tpu.memory_space<hbm>> -> memref<256xi32, #tpu.memory_space<hbm>>
    %dma_start3A_47 = arith.constant 1024 : i32
    %dma_start3A_48 = tpu.memref_slice %arg5[%dma_start3A_47] : memref<2560xi32, #tpu.memory_space<vmem>> -> memref<256xi32, #tpu.memory_space<vmem>>
    %dma_start3A_49 = tpu.memref_slice %arg2[%add3A_43] : memref<81920xi32, #tpu.memory_space<hbm>> -> memref<256xi32, #tpu.memory_space<hbm>>
    tpu.enqueue_dma source(%dma_start3A_49 : memref<256xi32, #tpu.memory_space<hbm>>) target(%dma_start3A_48 : memref<256xi32, #tpu.memory_space<vmem>>) target_semaphore(%arg9 : memref<!tpu.dma_semaphore, #tpu.memory_space<semaphore_mem>>)
    %mul3A_50 = arith.constant 256 : i32
    %mul3A_51 = arith.muli %add3A, %mul3A_50 : i32
    %add3A_52 = arith.constant 40960 : i32
    %add3A_53 = arith.addi %add3A_52, %mul3A_51 : i32
    %dma_start3A_54 = arith.constant 1280 : i32
    %dma_start3A_55 = tpu.memref_slice %arg5[%dma_start3A_54] : memref<2560xi32, #tpu.memory_space<vmem>> -> memref<256xi32, #tpu.memory_space<vmem>>
    %dma_start3A_56 = tpu.memref_slice %arg2[%add3A_53] : memref<81920xi32, #tpu.memory_space<hbm>> -> memref<256xi32, #tpu.memory_space<hbm>>
    %dma_start3A_57 = arith.constant 1280 : i32
    %dma_start3A_58 = tpu.memref_slice %arg5[%dma_start3A_57] : memref<2560xi32, #tpu.memory_space<vmem>> -> memref<256xi32, #tpu.memory_space<vmem>>
    %dma_start3A_59 = tpu.memref_slice %arg2[%add3A_53] : memref<81920xi32, #tpu.memory_space<hbm>> -> memref<256xi32, #tpu.memory_space<hbm>>
    tpu.enqueue_dma source(%dma_start3A_59 : memref<256xi32, #tpu.memory_space<hbm>>) target(%dma_start3A_58 : memref<256xi32, #tpu.memory_space<vmem>>) target_semaphore(%arg9 : memref<!tpu.dma_semaphore, #tpu.memory_space<semaphore_mem>>)
    %mul3A_60 = arith.constant 256 : i32
    %mul3A_61 = arith.muli %add3A, %mul3A_60 : i32
    %add3A_62 = arith.constant 49152 : i32
    %add3A_63 = arith.addi %add3A_62, %mul3A_61 : i32
    %dma_start3A_64 = arith.constant 1536 : i32
    %dma_start3A_65 = tpu.memref_slice %arg5[%dma_start3A_64] : memref<2560xi32, #tpu.memory_space<vmem>> -> memref<256xi32, #tpu.memory_space<vmem>>
    %dma_start3A_66 = tpu.memref_slice %arg2[%add3A_63] : memref<81920xi32, #tpu.memory_space<hbm>> -> memref<256xi32, #tpu.memory_space<hbm>>
    %dma_start3A_67 = arith.constant 1536 : i32
    %dma_start3A_68 = tpu.memref_slice %arg5[%dma_start3A_67] : memref<2560xi32, #tpu.memory_space<vmem>> -> memref<256xi32, #tpu.memory_space<vmem>>
    %dma_start3A_69 = tpu.memref_slice %arg2[%add3A_63] : memref<81920xi32, #tpu.memory_space<hbm>> -> memref<256xi32, #tpu.memory_space<hbm>>
    tpu.enqueue_dma source(%dma_start3A_69 : memref<256xi32, #tpu.memory_space<hbm>>) target(%dma_start3A_68 : memref<256xi32, #tpu.memory_space<vmem>>) target_semaphore(%arg9 : memref<!tpu.dma_semaphore, #tpu.memory_space<semaphore_mem>>)
    %mul3A_70 = arith.constant 256 : i32
    %mul3A_71 = arith.muli %add3A, %mul3A_70 : i32
    %add3A_72 = arith.constant 57344 : i32
    %add3A_73 = arith.addi %add3A_72, %mul3A_71 : i32
    %dma_start3A_74 = arith.constant 1792 : i32
    %dma_start3A_75 = tpu.memref_slice %arg5[%dma_start3A_74] : memref<2560xi32, #tpu.memory_space<vmem>> -> memref<256xi32, #tpu.memory_space<vmem>>
    %dma_start3A_76 = tpu.memref_slice %arg2[%add3A_73] : memref<81920xi32, #tpu.memory_space<hbm>> -> memref<256xi32, #tpu.memory_space<hbm>>
    %dma_start3A_77 = arith.constant 1792 : i32
    %dma_start3A_78 = tpu.memref_slice %arg5[%dma_start3A_77] : memref<2560xi32, #tpu.memory_space<vmem>> -> memref<256xi32, #tpu.memory_space<vmem>>
    %dma_start3A_79 = tpu.memref_slice %arg2[%add3A_73] : memref<81920xi32, #tpu.memory_space<hbm>> -> memref<256xi32, #tpu.memory_space<hbm>>
    tpu.enqueue_dma source(%dma_start3A_79 : memref<256xi32, #tpu.memory_space<hbm>>) target(%dma_start3A_78 : memref<256xi32, #tpu.memory_space<vmem>>) target_semaphore(%arg9 : memref<!tpu.dma_semaphore, #tpu.memory_space<semaphore_mem>>)
    %mul3A_80 = arith.constant 256 : i32
    %mul3A_81 = arith.muli %add3A, %mul3A_80 : i32
    %add3A_82 = arith.constant 65536 : i32
    %add3A_83 = arith.addi %add3A_82, %mul3A_81 : i32
    %dma_start3A_84 = arith.constant 2048 : i32
    %dma_start3A_85 = tpu.memref_slice %arg5[%dma_start3A_84] : memref<2560xi32, #tpu.memory_space<vmem>> -> memref<256xi32, #tpu.memory_space<vmem>>
    %dma_start3A_86 = tpu.memref_slice %arg2[%add3A_83] : memref<81920xi32, #tpu.memory_space<hbm>> -> memref<256xi32, #tpu.memory_space<hbm>>
    %dma_start3A_87 = arith.constant 2048 : i32
    %dma_start3A_88 = tpu.memref_slice %arg5[%dma_start3A_87] : memref<2560xi32, #tpu.memory_space<vmem>> -> memref<256xi32, #tpu.memory_space<vmem>>
    %dma_start3A_89 = tpu.memref_slice %arg2[%add3A_83] : memref<81920xi32, #tpu.memory_space<hbm>> -> memref<256xi32, #tpu.memory_space<hbm>>
    tpu.enqueue_dma source(%dma_start3A_89 : memref<256xi32, #tpu.memory_space<hbm>>) target(%dma_start3A_88 : memref<256xi32, #tpu.memory_space<vmem>>) target_semaphore(%arg9 : memref<!tpu.dma_semaphore, #tpu.memory_space<semaphore_mem>>)
    %mul3A_90 = arith.constant 256 : i32
    %mul3A_91 = arith.muli %add3A, %mul3A_90 : i32
    %add3A_92 = arith.constant 73728 : i32
    %add3A_93 = arith.addi %add3A_92, %mul3A_91 : i32
    %dma_start3A_94 = arith.constant 2304 : i32
    %dma_start3A_95 = tpu.memref_slice %arg5[%dma_start3A_94] : memref<2560xi32, #tpu.memory_space<vmem>> -> memref<256xi32, #tpu.memory_space<vmem>>
    %dma_start3A_96 = tpu.memref_slice %arg2[%add3A_93] : memref<81920xi32, #tpu.memory_space<hbm>> -> memref<256xi32, #tpu.memory_space<hbm>>
    %dma_start3A_97 = arith.constant 2304 : i32
    %dma_start3A_98 = tpu.memref_slice %arg5[%dma_start3A_97] : memref<2560xi32, #tpu.memory_space<vmem>> -> memref<256xi32, #tpu.memory_space<vmem>>
    %dma_start3A_99 = tpu.memref_slice %arg2[%add3A_93] : memref<81920xi32, #tpu.memory_space<hbm>> -> memref<256xi32, #tpu.memory_space<hbm>>
    tpu.enqueue_dma source(%dma_start3A_99 : memref<256xi32, #tpu.memory_space<hbm>>) target(%dma_start3A_98 : memref<256xi32, #tpu.memory_space<vmem>>) target_semaphore(%arg9 : memref<!tpu.dma_semaphore, #tpu.memory_space<semaphore_mem>>)
    "tpu.region"() ({
      %run_scoped3A = tpu.sem_alloc : memref<!tpu.dma_semaphore, #tpu.memory_space<semaphore_mem>>
      tpu.enqueue_dma source(%arg3 : memref<256xf32, #tpu.memory_space<hbm>>) target(%arg6 : memref<256xf32, #tpu.memory_space<vmem>>) target_semaphore(%run_scoped3A : memref<!tpu.dma_semaphore, #tpu.memory_space<semaphore_mem>>)
      tpu.wait_dma2 semaphore(%run_scoped3A : memref<!tpu.dma_semaphore, #tpu.memory_space<semaphore_mem>>) src(%arg3 : memref<256xf32, #tpu.memory_space<hbm>>) dst(%arg6 : memref<256xf32, #tpu.memory_space<vmem>>)
      tpu.yield
    }) : () -> ()
    %dma_wait3A = arith.constant 0 : i32
    %dma_wait3A_100 = tpu.memref_slice %arg5[%dma_wait3A] : memref<2560xi32, #tpu.memory_space<vmem>> -> memref<256xi32, #tpu.memory_space<vmem>>
    %dma_wait3A_101 = tpu.memref_slice %arg2[%add3A_4] : memref<81920xi32, #tpu.memory_space<hbm>> -> memref<256xi32, #tpu.memory_space<hbm>>
    %dma_wait3A_102 = arith.constant 0 : i32
    %dma_wait3A_103 = tpu.memref_slice %arg5[%dma_wait3A_102] : memref<2560xi32, #tpu.memory_space<vmem>> -> memref<256xi32, #tpu.memory_space<vmem>>
    %dma_wait3A_104 = tpu.memref_slice %arg2[%add3A_4] : memref<81920xi32, #tpu.memory_space<hbm>> -> memref<256xi32, #tpu.memory_space<hbm>>
    tpu.wait_dma2 semaphore(%arg9 : memref<!tpu.dma_semaphore, #tpu.memory_space<semaphore_mem>>) src(%dma_wait3A_104 : memref<256xi32, #tpu.memory_space<hbm>>) dst(%dma_wait3A_103 : memref<256xi32, #tpu.memory_space<vmem>>)
    %dma_wait3A_105 = arith.constant 256 : i32
    %dma_wait3A_106 = tpu.memref_slice %arg5[%dma_wait3A_105] : memref<2560xi32, #tpu.memory_space<vmem>> -> memref<256xi32, #tpu.memory_space<vmem>>
    %dma_wait3A_107 = tpu.memref_slice %arg2[%add3A_13] : memref<81920xi32, #tpu.memory_space<hbm>> -> memref<256xi32, #tpu.memory_space<hbm>>
    %dma_wait3A_108 = arith.constant 256 : i32
    %dma_wait3A_109 = tpu.memref_slice %arg5[%dma_wait3A_108] : memref<2560xi32, #tpu.memory_space<vmem>> -> memref<256xi32, #tpu.memory_space<vmem>>
    %dma_wait3A_110 = tpu.memref_slice %arg2[%add3A_13] : memref<81920xi32, #tpu.memory_space<hbm>> -> memref<256xi32, #tpu.memory_space<hbm>>
    tpu.wait_dma2 semaphore(%arg9 : memref<!tpu.dma_semaphore, #tpu.memory_space<semaphore_mem>>) src(%dma_wait3A_110 : memref<256xi32, #tpu.memory_space<hbm>>) dst(%dma_wait3A_109 : memref<256xi32, #tpu.memory_space<vmem>>)
    %dma_wait3A_111 = arith.constant 512 : i32
    %dma_wait3A_112 = tpu.memref_slice %arg5[%dma_wait3A_111] : memref<2560xi32, #tpu.memory_space<vmem>> -> memref<256xi32, #tpu.memory_space<vmem>>
    %dma_wait3A_113 = tpu.memref_slice %arg2[%add3A_23] : memref<81920xi32, #tpu.memory_space<hbm>> -> memref<256xi32, #tpu.memory_space<hbm>>
    %dma_wait3A_114 = arith.constant 512 : i32
    %dma_wait3A_115 = tpu.memref_slice %arg5[%dma_wait3A_114] : memref<2560xi32, #tpu.memory_space<vmem>> -> memref<256xi32, #tpu.memory_space<vmem>>
    %dma_wait3A_116 = tpu.memref_slice %arg2[%add3A_23] : memref<81920xi32, #tpu.memory_space<hbm>> -> memref<256xi32, #tpu.memory_space<hbm>>
    tpu.wait_dma2 semaphore(%arg9 : memref<!tpu.dma_semaphore, #tpu.memory_space<semaphore_mem>>) src(%dma_wait3A_116 : memref<256xi32, #tpu.memory_space<hbm>>) dst(%dma_wait3A_115 : memref<256xi32, #tpu.memory_space<vmem>>)
    %dma_wait3A_117 = arith.constant 768 : i32
    %dma_wait3A_118 = tpu.memref_slice %arg5[%dma_wait3A_117] : memref<2560xi32, #tpu.memory_space<vmem>> -> memref<256xi32, #tpu.memory_space<vmem>>
    %dma_wait3A_119 = tpu.memref_slice %arg2[%add3A_33] : memref<81920xi32, #tpu.memory_space<hbm>> -> memref<256xi32, #tpu.memory_space<hbm>>
    %dma_wait3A_120 = arith.constant 768 : i32
    %dma_wait3A_121 = tpu.memref_slice %arg5[%dma_wait3A_120] : memref<2560xi32, #tpu.memory_space<vmem>> -> memref<256xi32, #tpu.memory_space<vmem>>
    %dma_wait3A_122 = tpu.memref_slice %arg2[%add3A_33] : memref<81920xi32, #tpu.memory_space<hbm>> -> memref<256xi32, #tpu.memory_space<hbm>>
    tpu.wait_dma2 semaphore(%arg9 : memref<!tpu.dma_semaphore, #tpu.memory_space<semaphore_mem>>) src(%dma_wait3A_122 : memref<256xi32, #tpu.memory_space<hbm>>) dst(%dma_wait3A_121 : memref<256xi32, #tpu.memory_space<vmem>>)
    %dma_wait3A_123 = arith.constant 1024 : i32
    %dma_wait3A_124 = tpu.memref_slice %arg5[%dma_wait3A_123] : memref<2560xi32, #tpu.memory_space<vmem>> -> memref<256xi32, #tpu.memory_space<vmem>>
    %dma_wait3A_125 = tpu.memref_slice %arg2[%add3A_43] : memref<81920xi32, #tpu.memory_space<hbm>> -> memref<256xi32, #tpu.memory_space<hbm>>
    %dma_wait3A_126 = arith.constant 1024 : i32
    %dma_wait3A_127 = tpu.memref_slice %arg5[%dma_wait3A_126] : memref<2560xi32, #tpu.memory_space<vmem>> -> memref<256xi32, #tpu.memory_space<vmem>>
    %dma_wait3A_128 = tpu.memref_slice %arg2[%add3A_43] : memref<81920xi32, #tpu.memory_space<hbm>> -> memref<256xi32, #tpu.memory_space<hbm>>
    tpu.wait_dma2 semaphore(%arg9 : memref<!tpu.dma_semaphore, #tpu.memory_space<semaphore_mem>>) src(%dma_wait3A_128 : memref<256xi32, #tpu.memory_space<hbm>>) dst(%dma_wait3A_127 : memref<256xi32, #tpu.memory_space<vmem>>)
    %dma_wait3A_129 = arith.constant 1280 : i32
    %dma_wait3A_130 = tpu.memref_slice %arg5[%dma_wait3A_129] : memref<2560xi32, #tpu.memory_space<vmem>> -> memref<256xi32, #tpu.memory_space<vmem>>
    %dma_wait3A_131 = tpu.memref_slice %arg2[%add3A_53] : memref<81920xi32, #tpu.memory_space<hbm>> -> memref<256xi32, #tpu.memory_space<hbm>>
    %dma_wait3A_132 = arith.constant 1280 : i32
    %dma_wait3A_133 = tpu.memref_slice %arg5[%dma_wait3A_132] : memref<2560xi32, #tpu.memory_space<vmem>> -> memref<256xi32, #tpu.memory_space<vmem>>
    %dma_wait3A_134 = tpu.memref_slice %arg2[%add3A_53] : memref<81920xi32, #tpu.memory_space<hbm>> -> memref<256xi32, #tpu.memory_space<hbm>>
    tpu.wait_dma2 semaphore(%arg9 : memref<!tpu.dma_semaphore, #tpu.memory_space<semaphore_mem>>) src(%dma_wait3A_134 : memref<256xi32, #tpu.memory_space<hbm>>) dst(%dma_wait3A_133 : memref<256xi32, #tpu.memory_space<vmem>>)
    %dma_wait3A_135 = arith.constant 1536 : i32
    %dma_wait3A_136 = tpu.memref_slice %arg5[%dma_wait3A_135] : memref<2560xi32, #tpu.memory_space<vmem>> -> memref<256xi32, #tpu.memory_space<vmem>>
    %dma_wait3A_137 = tpu.memref_slice %arg2[%add3A_63] : memref<81920xi32, #tpu.memory_space<hbm>> -> memref<256xi32, #tpu.memory_space<hbm>>
    %dma_wait3A_138 = arith.constant 1536 : i32
    %dma_wait3A_139 = tpu.memref_slice %arg5[%dma_wait3A_138] : memref<2560xi32, #tpu.memory_space<vmem>> -> memref<256xi32, #tpu.memory_space<vmem>>
    %dma_wait3A_140 = tpu.memref_slice %arg2[%add3A_63] : memref<81920xi32, #tpu.memory_space<hbm>> -> memref<256xi32, #tpu.memory_space<hbm>>
    tpu.wait_dma2 semaphore(%arg9 : memref<!tpu.dma_semaphore, #tpu.memory_space<semaphore_mem>>) src(%dma_wait3A_140 : memref<256xi32, #tpu.memory_space<hbm>>) dst(%dma_wait3A_139 : memref<256xi32, #tpu.memory_space<vmem>>)
    %dma_wait3A_141 = arith.constant 1792 : i32
    %dma_wait3A_142 = tpu.memref_slice %arg5[%dma_wait3A_141] : memref<2560xi32, #tpu.memory_space<vmem>> -> memref<256xi32, #tpu.memory_space<vmem>>
    %dma_wait3A_143 = tpu.memref_slice %arg2[%add3A_73] : memref<81920xi32, #tpu.memory_space<hbm>> -> memref<256xi32, #tpu.memory_space<hbm>>
    %dma_wait3A_144 = arith.constant 1792 : i32
    %dma_wait3A_145 = tpu.memref_slice %arg5[%dma_wait3A_144] : memref<2560xi32, #tpu.memory_space<vmem>> -> memref<256xi32, #tpu.memory_space<vmem>>
    %dma_wait3A_146 = tpu.memref_slice %arg2[%add3A_73] : memref<81920xi32, #tpu.memory_space<hbm>> -> memref<256xi32, #tpu.memory_space<hbm>>
    tpu.wait_dma2 semaphore(%arg9 : memref<!tpu.dma_semaphore, #tpu.memory_space<semaphore_mem>>) src(%dma_wait3A_146 : memref<256xi32, #tpu.memory_space<hbm>>) dst(%dma_wait3A_145 : memref<256xi32, #tpu.memory_space<vmem>>)
    %dma_wait3A_147 = arith.constant 2048 : i32
    %dma_wait3A_148 = tpu.memref_slice %arg5[%dma_wait3A_147] : memref<2560xi32, #tpu.memory_space<vmem>> -> memref<256xi32, #tpu.memory_space<vmem>>
    %dma_wait3A_149 = tpu.memref_slice %arg2[%add3A_83] : memref<81920xi32, #tpu.memory_space<hbm>> -> memref<256xi32, #tpu.memory_space<hbm>>
    %dma_wait3A_150 = arith.constant 2048 : i32
    %dma_wait3A_151 = tpu.memref_slice %arg5[%dma_wait3A_150] : memref<2560xi32, #tpu.memory_space<vmem>> -> memref<256xi32, #tpu.memory_space<vmem>>
    %dma_wait3A_152 = tpu.memref_slice %arg2[%add3A_83] : memref<81920xi32, #tpu.memory_space<hbm>> -> memref<256xi32, #tpu.memory_space<hbm>>
    tpu.wait_dma2 semaphore(%arg9 : memref<!tpu.dma_semaphore, #tpu.memory_space<semaphore_mem>>) src(%dma_wait3A_152 : memref<256xi32, #tpu.memory_space<hbm>>) dst(%dma_wait3A_151 : memref<256xi32, #tpu.memory_space<vmem>>)
    %dma_wait3A_153 = arith.constant 2304 : i32
    %dma_wait3A_154 = tpu.memref_slice %arg5[%dma_wait3A_153] : memref<2560xi32, #tpu.memory_space<vmem>> -> memref<256xi32, #tpu.memory_space<vmem>>
    %dma_wait3A_155 = tpu.memref_slice %arg2[%add3A_93] : memref<81920xi32, #tpu.memory_space<hbm>> -> memref<256xi32, #tpu.memory_space<hbm>>
    %dma_wait3A_156 = arith.constant 2304 : i32
    %dma_wait3A_157 = tpu.memref_slice %arg5[%dma_wait3A_156] : memref<2560xi32, #tpu.memory_space<vmem>> -> memref<256xi32, #tpu.memory_space<vmem>>
    %dma_wait3A_158 = tpu.memref_slice %arg2[%add3A_93] : memref<81920xi32, #tpu.memory_space<hbm>> -> memref<256xi32, #tpu.memory_space<hbm>>
    tpu.wait_dma2 semaphore(%arg9 : memref<!tpu.dma_semaphore, #tpu.memory_space<semaphore_mem>>) src(%dma_wait3A_158 : memref<256xi32, #tpu.memory_space<hbm>>) dst(%dma_wait3A_157 : memref<256xi32, #tpu.memory_space<vmem>>)
    %iota3A = tpu.iota {dimensions = array<i32: 0>} : vector<16xi32>
    %broadcast_in_dim3A = arith.constant 192 : i32
    %broadcast_in_dim3A_159 = vector.broadcast %broadcast_in_dim3A : i32 to vector<16xi32>
    %gather3A = tpu.vector_load_idx %arg6[%broadcast_in_dim3A_159] : memref<256xf32, #tpu.memory_space<vmem>>[vector<16xi32>], vector<16xf32>,
    %broadcast_in_dim3A_160 = arith.constant 193 : i32
    %broadcast_in_dim3A_161 = vector.broadcast %broadcast_in_dim3A_160 : i32 to vector<16xi32>
    %gather3A_162 = tpu.vector_load_idx %arg6[%broadcast_in_dim3A_161] : memref<256xf32, #tpu.memory_space<vmem>>[vector<16xi32>], vector<16xf32>,
    %broadcast_in_dim3A_163 = arith.constant 194 : i32
    %broadcast_in_dim3A_164 = vector.broadcast %broadcast_in_dim3A_163 : i32 to vector<16xi32>
    %gather3A_165 = tpu.vector_load_idx %arg6[%broadcast_in_dim3A_164] : memref<256xf32, #tpu.memory_space<vmem>>[vector<16xi32>], vector<16xf32>,
    %broadcast_in_dim3A_166 = arith.constant 195 : i32
    %broadcast_in_dim3A_167 = vector.broadcast %broadcast_in_dim3A_166 : i32 to vector<16xi32>
    %gather3A_168 = tpu.vector_load_idx %arg6[%broadcast_in_dim3A_167] : memref<256xf32, #tpu.memory_space<vmem>>[vector<16xi32>], vector<16xf32>,
    %broadcast_in_dim3A_169 = arith.constant 196 : i32
    %broadcast_in_dim3A_170 = vector.broadcast %broadcast_in_dim3A_169 : i32 to vector<16xi32>
    %gather3A_171 = tpu.vector_load_idx %arg6[%broadcast_in_dim3A_170] : memref<256xf32, #tpu.memory_space<vmem>>[vector<16xi32>], vector<16xf32>,
    %broadcast_in_dim3A_172 = arith.constant 197 : i32
    %broadcast_in_dim3A_173 = vector.broadcast %broadcast_in_dim3A_172 : i32 to vector<16xi32>
    %gather3A_174 = tpu.vector_load_idx %arg6[%broadcast_in_dim3A_173] : memref<256xf32, #tpu.memory_space<vmem>>[vector<16xi32>], vector<16xf32>,
    %mul3A_175 = arith.constant 6 : i32
    %mul3A_176 = vector.broadcast %mul3A_175 : i32 to vector<16xi32>
    %mul3A_177 = arith.muli %iota3A, %mul3A_176 : vector<16xi32>
    %broadcast_in_dim3A_178 = arith.constant 0.000000e+00 : f32
    %broadcast_in_dim3A_179 = vector.broadcast %broadcast_in_dim3A_178 : f32 to vector<16xf32>
    %broadcast_in_dim3A_180 = arith.constant 0.000000e+00 : f32
    %broadcast_in_dim3A_181 = vector.broadcast %broadcast_in_dim3A_180 : f32 to vector<16xf32>
    %add3A_182 = arith.constant 0 : i32
    %add3A_183 = vector.broadcast %add3A_182 : i32 to vector<16xi32>
    %add3A_184 = arith.addi %mul3A_177, %add3A_183 : vector<16xi32>
    %gather3A_185 = tpu.vector_load_idx %arg6[%add3A_184] : memref<256xf32, #tpu.memory_space<vmem>>[vector<16xi32>], vector<16xf32>,
    %mul3A_186 = arith.mulf %gather3A_185, %gather3A : vector<16xf32>
    %add3A_187 = arith.addf %broadcast_in_dim3A_179, %mul3A_186 : vector<16xf32>
    %add3A_188 = arith.constant 96 : i32
    %add3A_189 = vector.broadcast %add3A_188 : i32 to vector<16xi32>
    %add3A_190 = arith.addi %mul3A_177, %add3A_189 : vector<16xi32>
    %gather3A_191 = tpu.vector_load_idx %arg6[%add3A_190] : memref<256xf32, #tpu.memory_space<vmem>>[vector<16xi32>], vector<16xf32>,
    %mul3A_192 = arith.mulf %gather3A_191, %gather3A : vector<16xf32>
    %add3A_193 = arith.addf %broadcast_in_dim3A_181, %mul3A_192 : vector<16xf32>
    %add3A_194 = arith.constant 1 : i32
    %add3A_195 = vector.broadcast %add3A_194 : i32 to vector<16xi32>
    %add3A_196 = arith.addi %mul3A_177, %add3A_195 : vector<16xi32>
    %gather3A_197 = tpu.vector_load_idx %arg6[%add3A_196] : memref<256xf32, #tpu.memory_space<vmem>>[vector<16xi32>], vector<16xf32>,
    %mul3A_198 = arith.mulf %gather3A_197, %gather3A_162 : vector<16xf32>
    %add3A_199 = arith.addf %add3A_187, %mul3A_198 : vector<16xf32>
    %add3A_200 = arith.constant 97 : i32
    %add3A_201 = vector.broadcast %add3A_200 : i32 to vector<16xi32>
    %add3A_202 = arith.addi %mul3A_177, %add3A_201 : vector<16xi32>
    %gather3A_203 = tpu.vector_load_idx %arg6[%add3A_202] : memref<256xf32, #tpu.memory_space<vmem>>[vector<16xi32>], vector<16xf32>,
    %mul3A_204 = arith.mulf %gather3A_203, %gather3A_162 : vector<16xf32>
    %add3A_205 = arith.addf %add3A_193, %mul3A_204 : vector<16xf32>
    %add3A_206 = arith.constant 2 : i32
    %add3A_207 = vector.broadcast %add3A_206 : i32 to vector<16xi32>
    %add3A_208 = arith.addi %mul3A_177, %add3A_207 : vector<16xi32>
    %gather3A_209 = tpu.vector_load_idx %arg6[%add3A_208] : memref<256xf32, #tpu.memory_space<vmem>>[vector<16xi32>], vector<16xf32>,
    %mul3A_210 = arith.mulf %gather3A_209, %gather3A_165 : vector<16xf32>
    %add3A_211 = arith.addf %add3A_199, %mul3A_210 : vector<16xf32>
    %add3A_212 = arith.constant 98 : i32
    %add3A_213 = vector.broadcast %add3A_212 : i32 to vector<16xi32>
    %add3A_214 = arith.addi %mul3A_177, %add3A_213 : vector<16xi32>
    %gather3A_215 = tpu.vector_load_idx %arg6[%add3A_214] : memref<256xf32, #tpu.memory_space<vmem>>[vector<16xi32>], vector<16xf32>,
    %mul3A_216 = arith.mulf %gather3A_215, %gather3A_165 : vector<16xf32>
    %add3A_217 = arith.addf %add3A_205, %mul3A_216 : vector<16xf32>
    %add3A_218 = arith.constant 3 : i32
    %add3A_219 = vector.broadcast %add3A_218 : i32 to vector<16xi32>
    %add3A_220 = arith.addi %mul3A_177, %add3A_219 : vector<16xi32>
    %gather3A_221 = tpu.vector_load_idx %arg6[%add3A_220] : memref<256xf32, #tpu.memory_space<vmem>>[vector<16xi32>], vector<16xf32>,
    %mul3A_222 = arith.mulf %gather3A_221, %gather3A_168 : vector<16xf32>
    %add3A_223 = arith.addf %add3A_211, %mul3A_222 : vector<16xf32>
    %add3A_224 = arith.constant 99 : i32
    %add3A_225 = vector.broadcast %add3A_224 : i32 to vector<16xi32>
    %add3A_226 = arith.addi %mul3A_177, %add3A_225 : vector<16xi32>
    %gather3A_227 = tpu.vector_load_idx %arg6[%add3A_226] : memref<256xf32, #tpu.memory_space<vmem>>[vector<16xi32>], vector<16xf32>,
    %mul3A_228 = arith.mulf %gather3A_227, %gather3A_168 : vector<16xf32>
    %add3A_229 = arith.addf %add3A_217, %mul3A_228 : vector<16xf32>
    %add3A_230 = arith.constant 4 : i32
    %add3A_231 = vector.broadcast %add3A_230 : i32 to vector<16xi32>
    %add3A_232 = arith.addi %mul3A_177, %add3A_231 : vector<16xi32>
    %gather3A_233 = tpu.vector_load_idx %arg6[%add3A_232] : memref<256xf32, #tpu.memory_space<vmem>>[vector<16xi32>], vector<16xf32>,
    %mul3A_234 = arith.mulf %gather3A_233, %gather3A_171 : vector<16xf32>
    %add3A_235 = arith.addf %add3A_223, %mul3A_234 : vector<16xf32>
    %add3A_236 = arith.constant 100 : i32
    %add3A_237 = vector.broadcast %add3A_236 : i32 to vector<16xi32>
    %add3A_238 = arith.addi %mul3A_177, %add3A_237 : vector<16xi32>
    %gather3A_239 = tpu.vector_load_idx %arg6[%add3A_238] : memref<256xf32, #tpu.memory_space<vmem>>[vector<16xi32>], vector<16xf32>,
    %mul3A_240 = arith.mulf %gather3A_239, %gather3A_171 : vector<16xf32>
    %add3A_241 = arith.addf %add3A_229, %mul3A_240 : vector<16xf32>
    %add3A_242 = arith.constant 5 : i32
    %add3A_243 = vector.broadcast %add3A_242 : i32 to vector<16xi32>
    %add3A_244 = arith.addi %mul3A_177, %add3A_243 : vector<16xi32>
    %gather3A_245 = tpu.vector_load_idx %arg6[%add3A_244] : memref<256xf32, #tpu.memory_space<vmem>>[vector<16xi32>], vector<16xf32>,
    %mul3A_246 = arith.mulf %gather3A_245, %gather3A_174 : vector<16xf32>
    %add3A_247 = arith.addf %add3A_235, %mul3A_246 : vector<16xf32>
    %add3A_248 = arith.constant 101 : i32
    %add3A_249 = vector.broadcast %add3A_248 : i32 to vector<16xi32>
    %add3A_250 = arith.addi %mul3A_177, %add3A_249 : vector<16xi32>
    %gather3A_251 = tpu.vector_load_idx %arg6[%add3A_250] : memref<256xf32, #tpu.memory_space<vmem>>[vector<16xi32>], vector<16xf32>,
    %mul3A_252 = arith.mulf %gather3A_251, %gather3A_174 : vector<16xf32>
    %add3A_253 = arith.addf %add3A_241, %mul3A_252 : vector<16xf32>
    %max3A = arith.maximumf %add3A_247, %add3A_253 : vector<16xf32>
    %sub3A = arith.subf %add3A_247, %max3A : vector<16xf32>
    %div3A = arith.constant 1.000000e-03 : f32
    %div3A_254 = vector.broadcast %div3A : f32 to vector<16xf32>
    %div3A_255 = arith.divf %sub3A, %div3A_254 : vector<16xf32>
    %exp3A = math.exp %div3A_255 : vector<16xf32>
    %sub3A_256 = arith.subf %add3A_253, %max3A : vector<16xf32>
    %div3A_257 = arith.constant 1.000000e-03 : f32
    %div3A_258 = vector.broadcast %div3A_257 : f32 to vector<16xf32>
    %div3A_259 = arith.divf %sub3A_256, %div3A_258 : vector<16xf32>
    %exp3A_260 = math.exp %div3A_259 : vector<16xf32>
    %mul3A_261 = arith.mulf %exp3A, %add3A_247 : vector<16xf32>
    %mul3A_262 = arith.mulf %exp3A_260, %add3A_253 : vector<16xf32>
    %add3A_263 = arith.addf %mul3A_261, %mul3A_262 : vector<16xf32>
    %add3A_264 = arith.addf %exp3A, %exp3A_260 : vector<16xf32>
    %div3A_265 = arith.divf %add3A_263, %add3A_264 : vector<16xf32>
    %swap3A = arith.constant 0 : index
    %swap3A_266 = tpu.vector_load %arg7[%swap3A] {strides = array<i32>} : memref<16xf32, #tpu.memory_space<vmem>>, vector<16xf32>,
    tpu.vector_store %arg7[%swap3A], %div3A_265 {strides = array<i32>} : memref<16xf32, #tpu.memory_space<vmem>>, vector<16xf32>,
    %scan3A = arith.constant 0 : i32
    %scan3A_267 = arith.constant 0 : i32
    %scan3A_268 = arith.constant 8 : i32
    %scan3A_269 = arith.addi %scan3A_267, %scan3A_268 : i32
    %scan3A_270 = arith.constant 1 : i32
    scf.for %scan3A_276 = %scan3A_267 to %scan3A_269 step %scan3A_270  : i32 {
      %mul3A_277 = arith.constant 16 : i32
      %mul3A_278 = arith.muli %scan3A_276, %mul3A_277 : i32
      %multiple_of3A = tpu.assume_multiple %mul3A_278, 16 : i32
      %add3A_279 = arith.constant 0 : i32
      %add3A_280 = arith.addi %add3A_279, %multiple_of3A : i32
      %multiple_of3A_281 = tpu.assume_multiple %add3A_280, 16 : i32
      %broadcast_in_dim3A_282 = arith.constant 0.000000e+00 : f32
      %broadcast_in_dim3A_283 = vector.broadcast %broadcast_in_dim3A_282 : f32 to vector<16xf32>
      %add3A_284 = arith.constant 0 : i32
      %add3A_285 = arith.addi %add3A_284, %multiple_of3A_281 : i32
      %get3A = arith.index_cast %add3A_285 : i32 to index
      %get3A_286 = tpu.vector_load %arg5[%get3A] {strides = array<i32>} : memref<2560xi32, #tpu.memory_space<vmem>>, vector<16xi32>,
      %convert_element_type3A = arith.sitofp %get3A_286 : vector<16xi32> to vector<16xf32>
      %mul3A_287 = arith.mulf %convert_element_type3A, %gather3A : vector<16xf32>
      %add3A_288 = arith.addf %broadcast_in_dim3A_283, %mul3A_287 : vector<16xf32>
      %add3A_289 = arith.constant 256 : i32
      %add3A_290 = arith.addi %add3A_289, %multiple_of3A_281 : i32
      %get3A_291 = arith.index_cast %add3A_290 : i32 to index
      %get3A_292 = tpu.vector_load %arg5[%get3A_291] {strides = array<i32>} : memref<2560xi32, #tpu.memory_space<vmem>>, vector<16xi32>,
      %convert_element_type3A_293 = arith.sitofp %get3A_292 : vector<16xi32> to vector<16xf32>
      %mul3A_294 = arith.mulf %convert_element_type3A_293, %gather3A_162 : vector<16xf32>
      %add3A_295 = arith.addf %add3A_288, %mul3A_294 : vector<16xf32>
      %add3A_296 = arith.constant 512 : i32
      %add3A_297 = arith.addi %add3A_296, %multiple_of3A_281 : i32
      %get3A_298 = arith.index_cast %add3A_297 : i32 to index
      %get3A_299 = tpu.vector_load %arg5[%get3A_298] {strides = array<i32>} : memref<2560xi32, #tpu.memory_space<vmem>>, vector<16xi32>,
      %convert_element_type3A_300 = arith.sitofp %get3A_299 : vector<16xi32> to vector<16xf32>
      %mul3A_301 = arith.mulf %convert_element_type3A_300, %gather3A_165 : vector<16xf32>
      %add3A_302 = arith.addf %add3A_295, %mul3A_301 : vector<16xf32>
      %add3A_303 = arith.constant 768 : i32
      %add3A_304 = arith.addi %add3A_303, %multiple_of3A_281 : i32
      %get3A_305 = arith.index_cast %add3A_304 : i32 to index
      %get3A_306 = tpu.vector_load %arg5[%get3A_305] {strides = array<i32>} : memref<2560xi32, #tpu.memory_space<vmem>>, vector<16xi32>,
      %convert_element_type3A_307 = arith.sitofp %get3A_306 : vector<16xi32> to vector<16xf32>
      %mul3A_308 = arith.mulf %convert_element_type3A_307, %gather3A_168 : vector<16xf32>
      %add3A_309 = arith.addf %add3A_302, %mul3A_308 : vector<16xf32>
      %add3A_310 = arith.constant 1024 : i32
      %add3A_311 = arith.addi %add3A_310, %multiple_of3A_281 : i32
      %get3A_312 = arith.index_cast %add3A_311 : i32 to index
      %get3A_313 = tpu.vector_load %arg5[%get3A_312] {strides = array<i32>} : memref<2560xi32, #tpu.memory_space<vmem>>, vector<16xi32>,
      %convert_element_type3A_314 = arith.sitofp %get3A_313 : vector<16xi32> to vector<16xf32>
      %mul3A_315 = arith.mulf %convert_element_type3A_314, %gather3A_171 : vector<16xf32>
      %add3A_316 = arith.addf %add3A_309, %mul3A_315 : vector<16xf32>
      %add3A_317 = arith.constant 1280 : i32
      %add3A_318 = arith.addi %add3A_317, %multiple_of3A_281 : i32
      %get3A_319 = arith.index_cast %add3A_318 : i32 to index
      %get3A_320 = tpu.vector_load %arg5[%get3A_319] {strides = array<i32>} : memref<2560xi32, #tpu.memory_space<vmem>>, vector<16xi32>,
      %convert_element_type3A_321 = arith.sitofp %get3A_320 : vector<16xi32> to vector<16xf32>
      %mul3A_322 = arith.mulf %convert_element_type3A_321, %gather3A_174 : vector<16xf32>
      %add3A_323 = arith.addf %add3A_316, %mul3A_322 : vector<16xf32>
      %add3A_324 = arith.constant 1536 : i32
      %add3A_325 = arith.addi %add3A_324, %multiple_of3A_281 : i32
      %get3A_326 = arith.index_cast %add3A_325 : i32 to index
      %get3A_327 = tpu.vector_load %arg5[%get3A_326] {strides = array<i32>} : memref<2560xi32, #tpu.memory_space<vmem>>, vector<16xi32>,
      %add3A_328 = arith.constant 1792 : i32
      %add3A_329 = arith.addi %add3A_328, %multiple_of3A_281 : i32
      %get3A_330 = arith.index_cast %add3A_329 : i32 to index
      %get3A_331 = tpu.vector_load %arg5[%get3A_330] {strides = array<i32>} : memref<2560xi32, #tpu.memory_space<vmem>>, vector<16xi32>,
      %add3A_332 = arith.constant 2048 : i32
      %add3A_333 = arith.addi %add3A_332, %multiple_of3A_281 : i32
      %get3A_334 = arith.index_cast %add3A_333 : i32 to index
      %get3A_335 = tpu.vector_load %arg5[%get3A_334] {strides = array<i32>} : memref<2560xi32, #tpu.memory_space<vmem>>, vector<16xi32>,
      %add3A_336 = arith.constant 2304 : i32
      %add3A_337 = arith.addi %add3A_336, %multiple_of3A_281 : i32
      %get3A_338 = arith.index_cast %add3A_337 : i32 to index
      %get3A_339 = tpu.vector_load %arg5[%get3A_338] {strides = array<i32>} : memref<2560xi32, #tpu.memory_space<vmem>>, vector<16xi32>,
      %mul3A_340 = arith.constant 4 : i32
      %mul3A_341 = vector.broadcast %mul3A_340 : i32 to vector<16xi32>
      %mul3A_342 = arith.muli %get3A_327, %mul3A_341 : vector<16xi32>
      %add3A_343 = arith.addi %mul3A_342, %get3A_331 : vector<16xi32>
      %gather3A_344 = tpu.vector_load_idx %arg7[%add3A_343] : memref<16xf32, #tpu.memory_space<vmem>>[vector<16xi32>], vector<16xf32>,
      %mul3A_345 = arith.constant 4 : i32
      %mul3A_346 = vector.broadcast %mul3A_345 : i32 to vector<16xi32>
      %mul3A_347 = arith.muli %get3A_335, %mul3A_346 : vector<16xi32>
      %add3A_348 = arith.addi %mul3A_347, %get3A_339 : vector<16xi32>
      %gather3A_349 = tpu.vector_load_idx %arg7[%add3A_348] : memref<16xf32, #tpu.memory_space<vmem>>[vector<16xi32>], vector<16xf32>,
      %add3A_350 = arith.addf %add3A_323, %gather3A_349 : vector<16xf32>
      %sub3A_351 = arith.subf %add3A_350, %gather3A_344 : vector<16xf32>
      %add3A_352 = arith.constant 128 : i32
      %add3A_353 = arith.addi %add3A_352, %multiple_of3A : i32
      %multiple_of3A_354 = tpu.assume_multiple %add3A_353, 16 : i32
      %broadcast_in_dim3A_355 = arith.constant 0.000000e+00 : f32
      %broadcast_in_dim3A_356 = vector.broadcast %broadcast_in_dim3A_355 : f32 to vector<16xf32>
      %add3A_357 = arith.constant 0 : i32
      %add3A_358 = arith.addi %add3A_357, %multiple_of3A_354 : i32
      %get3A_359 = arith.index_cast %add3A_358 : i32 to index
      %get3A_360 = tpu.vector_load %arg5[%get3A_359] {strides = array<i32>} : memref<2560xi32, #tpu.memory_space<vmem>>, vector<16xi32>,
      %convert_element_type3A_361 = arith.sitofp %get3A_360 : vector<16xi32> to vector<16xf32>
      %mul3A_362 = arith.mulf %convert_element_type3A_361, %gather3A : vector<16xf32>
      %add3A_363 = arith.addf %broadcast_in_dim3A_356, %mul3A_362 : vector<16xf32>
      %add3A_364 = arith.constant 256 : i32
      %add3A_365 = arith.addi %add3A_364, %multiple_of3A_354 : i32
      %get3A_366 = arith.index_cast %add3A_365 : i32 to index
      %get3A_367 = tpu.vector_load %arg5[%get3A_366] {strides = array<i32>} : memref<2560xi32, #tpu.memory_space<vmem>>, vector<16xi32>,
      %convert_element_type3A_368 = arith.sitofp %get3A_367 : vector<16xi32> to vector<16xf32>
      %mul3A_369 = arith.mulf %convert_element_type3A_368, %gather3A_162 : vector<16xf32>
      %add3A_370 = arith.addf %add3A_363, %mul3A_369 : vector<16xf32>
      %add3A_371 = arith.constant 512 : i32
      %add3A_372 = arith.addi %add3A_371, %multiple_of3A_354 : i32
      %get3A_373 = arith.index_cast %add3A_372 : i32 to index
      %get3A_374 = tpu.vector_load %arg5[%get3A_373] {strides = array<i32>} : memref<2560xi32, #tpu.memory_space<vmem>>, vector<16xi32>,
      %convert_element_type3A_375 = arith.sitofp %get3A_374 : vector<16xi32> to vector<16xf32>
      %mul3A_376 = arith.mulf %convert_element_type3A_375, %gather3A_165 : vector<16xf32>
      %add3A_377 = arith.addf %add3A_370, %mul3A_376 : vector<16xf32>
      %add3A_378 = arith.constant 768 : i32
      %add3A_379 = arith.addi %add3A_378, %multiple_of3A_354 : i32
      %get3A_380 = arith.index_cast %add3A_379 : i32 to index
      %get3A_381 = tpu.vector_load %arg5[%get3A_380] {strides = array<i32>} : memref<2560xi32, #tpu.memory_space<vmem>>, vector<16xi32>,
      %convert_element_type3A_382 = arith.sitofp %get3A_381 : vector<16xi32> to vector<16xf32>
      %mul3A_383 = arith.mulf %convert_element_type3A_382, %gather3A_168 : vector<16xf32>
      %add3A_384 = arith.addf %add3A_377, %mul3A_383 : vector<16xf32>
      %add3A_385 = arith.constant 1024 : i32
      %add3A_386 = arith.addi %add3A_385, %multiple_of3A_354 : i32
      %get3A_387 = arith.index_cast %add3A_386 : i32 to index
      %get3A_388 = tpu.vector_load %arg5[%get3A_387] {strides = array<i32>} : memref<2560xi32, #tpu.memory_space<vmem>>, vector<16xi32>,
      %convert_element_type3A_389 = arith.sitofp %get3A_388 : vector<16xi32> to vector<16xf32>
      %mul3A_390 = arith.mulf %convert_element_type3A_389, %gather3A_171 : vector<16xf32>
      %add3A_391 = arith.addf %add3A_384, %mul3A_390 : vector<16xf32>
      %add3A_392 = arith.constant 1280 : i32
      %add3A_393 = arith.addi %add3A_392, %multiple_of3A_354 : i32
      %get3A_394 = arith.index_cast %add3A_393 : i32 to index
      %get3A_395 = tpu.vector_load %arg5[%get3A_394] {strides = array<i32>} : memref<2560xi32, #tpu.memory_space<vmem>>, vector<16xi32>,
      %convert_element_type3A_396 = arith.sitofp %get3A_395 : vector<16xi32> to vector<16xf32>
      %mul3A_397 = arith.mulf %convert_element_type3A_396, %gather3A_174 : vector<16xf32>
      %add3A_398 = arith.addf %add3A_391, %mul3A_397 : vector<16xf32>
      %add3A_399 = arith.constant 1536 : i32
      %add3A_400 = arith.addi %add3A_399, %multiple_of3A_354 : i32
      %get3A_401 = arith.index_cast %add3A_400 : i32 to index
      %get3A_402 = tpu.vector_load %arg5[%get3A_401] {strides = array<i32>} : memref<2560xi32, #tpu.memory_space<vmem>>, vector<16xi32>,
      %add3A_403 = arith.constant 1792 : i32
      %add3A_404 = arith.addi %add3A_403, %multiple_of3A_354 : i32
      %get3A_405 = arith.index_cast %add3A_404 : i32 to index
      %get3A_406 = tpu.vector_load %arg5[%get3A_405] {strides = array<i32>} : memref<2560xi32, #tpu.memory_space<vmem>>, vector<16xi32>,
      %add3A_407 = arith.constant 2048 : i32
      %add3A_408 = arith.addi %add3A_407, %multiple_of3A_354 : i32
      %get3A_409 = arith.index_cast %add3A_408 : i32 to index
      %get3A_410 = tpu.vector_load %arg5[%get3A_409] {strides = array<i32>} : memref<2560xi32, #tpu.memory_space<vmem>>, vector<16xi32>,
      %add3A_411 = arith.constant 2304 : i32
      %add3A_412 = arith.addi %add3A_411, %multiple_of3A_354 : i32
      %get3A_413 = arith.index_cast %add3A_412 : i32 to index
      %get3A_414 = tpu.vector_load %arg5[%get3A_413] {strides = array<i32>} : memref<2560xi32, #tpu.memory_space<vmem>>, vector<16xi32>,
      %mul3A_415 = arith.constant 4 : i32
      %mul3A_416 = vector.broadcast %mul3A_415 : i32 to vector<16xi32>
      %mul3A_417 = arith.muli %get3A_402, %mul3A_416 : vector<16xi32>
      %add3A_418 = arith.addi %mul3A_417, %get3A_406 : vector<16xi32>
      %gather3A_419 = tpu.vector_load_idx %arg7[%add3A_418] : memref<16xf32, #tpu.memory_space<vmem>>[vector<16xi32>], vector<16xf32>,
      %mul3A_420 = arith.constant 4 : i32
      %mul3A_421 = vector.broadcast %mul3A_420 : i32 to vector<16xi32>
      %mul3A_422 = arith.muli %get3A_410, %mul3A_421 : vector<16xi32>
      %add3A_423 = arith.addi %mul3A_422, %get3A_414 : vector<16xi32>
      %gather3A_424 = tpu.vector_load_idx %arg7[%add3A_423] : memref<16xf32, #tpu.memory_space<vmem>>[vector<16xi32>], vector<16xf32>,
      %add3A_425 = arith.addf %add3A_398, %gather3A_424 : vector<16xf32>
      %sub3A_426 = arith.subf %add3A_425, %gather3A_419 : vector<16xf32>
      %sub3A_427 = arith.subf %sub3A_351, %sub3A_426 : vector<16xf32>
      %neg3A = arith.constant 0.000000e+00 : f32
      %neg3A_428 = vector.broadcast %neg3A : f32 to vector<16xf32>
      %neg3A_429 = arith.subf %neg3A_428, %sub3A_427 : vector<16xf32>
      %exp3A_430 = math.exp %neg3A_429 : vector<16xf32>
      %add3A_431 = arith.constant 1.000000e+00 : f32
      %add3A_432 = vector.broadcast %add3A_431 : f32 to vector<16xf32>
      %add3A_433 = arith.addf %add3A_432, %exp3A_430 : vector<16xf32>
      %div3A_434 = arith.constant 1.000000e+00 : f32
      %div3A_435 = vector.broadcast %div3A_434 : f32 to vector<16xf32>
      %div3A_436 = arith.divf %div3A_435, %add3A_433 : vector<16xf32>
      %swap3A_437 = arith.index_cast %multiple_of3A : i32 to index
      %swap3A_438 = tpu.vector_load %arg8[%swap3A_437] {strides = array<i32>} : memref<256xf32, #tpu.memory_space<vmem>>, vector<16xf32>,
      tpu.vector_store %arg8[%swap3A_437], %div3A_436 {strides = array<i32>} : memref<256xf32, #tpu.memory_space<vmem>>, vector<16xf32>,
      %exp3A_439 = math.exp %sub3A_427 : vector<16xf32>
      %add3A_440 = arith.constant 1.000000e+00 : f32
      %add3A_441 = vector.broadcast %add3A_440 : f32 to vector<16xf32>
      %add3A_442 = arith.addf %add3A_441, %exp3A_439 : vector<16xf32>
      %div3A_443 = arith.constant 1.000000e+00 : f32
      %div3A_444 = vector.broadcast %div3A_443 : f32 to vector<16xf32>
      %div3A_445 = arith.divf %div3A_444, %add3A_442 : vector<16xf32>
      %add3A_446 = arith.constant 128 : i32
      %add3A_447 = arith.addi %add3A_446, %multiple_of3A : i32
      %swap3A_448 = arith.index_cast %add3A_447 : i32 to index
      %swap3A_449 = tpu.vector_load %arg8[%swap3A_448] {strides = array<i32>} : memref<256xf32, #tpu.memory_space<vmem>>, vector<16xf32>,
      tpu.vector_store %arg8[%swap3A_448], %div3A_445 {strides = array<i32>} : memref<256xf32, #tpu.memory_space<vmem>>, vector<16xf32>,
    }
    %scan3A_271 = arith.constant 8 : i32
    %mul3A_272 = arith.constant 128 : i32
    %mul3A_273 = arith.muli %add3A, %mul3A_272 : i32
    "tpu.region"() ({
      %run_scoped3A = tpu.sem_alloc : memref<!tpu.dma_semaphore, #tpu.memory_space<semaphore_mem>>
      %dma_start3A_276 = arith.constant 0 : i32
      %dma_start3A_277 = tpu.memref_slice %arg8[%dma_start3A_276] : memref<256xf32, #tpu.memory_space<vmem>> -> memref<128xf32, #tpu.memory_space<vmem>>
      %dma_start3A_278 = tpu.memref_slice %arg4[%mul3A_273] : memref<8192xf32, #tpu.memory_space<hbm>> -> memref<128xf32, #tpu.memory_space<hbm>>
      %dma_start3A_279 = tpu.memref_slice %arg4[%mul3A_273] : memref<8192xf32, #tpu.memory_space<hbm>> -> memref<128xf32, #tpu.memory_space<hbm>>
      %dma_start3A_280 = arith.constant 0 : i32
      %dma_start3A_281 = tpu.memref_slice %arg8[%dma_start3A_280] : memref<256xf32, #tpu.memory_space<vmem>> -> memref<128xf32, #tpu.memory_space<vmem>>
      tpu.enqueue_dma source(%dma_start3A_281 : memref<128xf32, #tpu.memory_space<vmem>>) target(%dma_start3A_279 : memref<128xf32, #tpu.memory_space<hbm>>) target_semaphore(%run_scoped3A : memref<!tpu.dma_semaphore, #tpu.memory_space<semaphore_mem>>)
      %dma_wait3A_282 = arith.constant 0 : i32
      %dma_wait3A_283 = tpu.memref_slice %arg8[%dma_wait3A_282] : memref<256xf32, #tpu.memory_space<vmem>> -> memref<128xf32, #tpu.memory_space<vmem>>
      %dma_wait3A_284 = tpu.memref_slice %arg4[%mul3A_273] : memref<8192xf32, #tpu.memory_space<hbm>> -> memref<128xf32, #tpu.memory_space<hbm>>
      %dma_wait3A_285 = tpu.memref_slice %arg4[%mul3A_273] : memref<8192xf32, #tpu.memory_space<hbm>> -> memref<128xf32, #tpu.memory_space<hbm>>
      %dma_wait3A_286 = arith.constant 0 : i32
      %dma_wait3A_287 = tpu.memref_slice %arg8[%dma_wait3A_286] : memref<256xf32, #tpu.memory_space<vmem>> -> memref<128xf32, #tpu.memory_space<vmem>>
      tpu.wait_dma2 semaphore(%run_scoped3A : memref<!tpu.dma_semaphore, #tpu.memory_space<semaphore_mem>>) src(%dma_wait3A_287 : memref<128xf32, #tpu.memory_space<vmem>>) dst(%dma_wait3A_285 : memref<128xf32, #tpu.memory_space<hbm>>)
      tpu.yield
    }) : () -> ()
    %add3A_274 = arith.constant 4096 : i32
    %add3A_275 = arith.addi %add3A_274, %mul3A_273 : i32
    "tpu.region"() ({
      %run_scoped3A = tpu.sem_alloc : memref<!tpu.dma_semaphore, #tpu.memory_space<semaphore_mem>>
      %dma_start3A_276 = arith.constant 128 : i32
      %dma_start3A_277 = tpu.memref_slice %arg8[%dma_start3A_276] : memref<256xf32, #tpu.memory_space<vmem>> -> memref<128xf32, #tpu.memory_space<vmem>>
      %dma_start3A_278 = tpu.memref_slice %arg4[%add3A_275] : memref<8192xf32, #tpu.memory_space<hbm>> -> memref<128xf32, #tpu.memory_space<hbm>>
      %dma_start3A_279 = tpu.memref_slice %arg4[%add3A_275] : memref<8192xf32, #tpu.memory_space<hbm>> -> memref<128xf32, #tpu.memory_space<hbm>>
      %dma_start3A_280 = arith.constant 128 : i32
      %dma_start3A_281 = tpu.memref_slice %arg8[%dma_start3A_280] : memref<256xf32, #tpu.memory_space<vmem>> -> memref<128xf32, #tpu.memory_space<vmem>>
      tpu.enqueue_dma source(%dma_start3A_281 : memref<128xf32, #tpu.memory_space<vmem>>) target(%dma_start3A_279 : memref<128xf32, #tpu.memory_space<hbm>>) target_semaphore(%run_scoped3A : memref<!tpu.dma_semaphore, #tpu.memory_space<semaphore_mem>>)
      %dma_wait3A_282 = arith.constant 128 : i32
      %dma_wait3A_283 = tpu.memref_slice %arg8[%dma_wait3A_282] : memref<256xf32, #tpu.memory_space<vmem>> -> memref<128xf32, #tpu.memory_space<vmem>>
      %dma_wait3A_284 = tpu.memref_slice %arg4[%add3A_275] : memref<8192xf32, #tpu.memory_space<hbm>> -> memref<128xf32, #tpu.memory_space<hbm>>
      %dma_wait3A_285 = tpu.memref_slice %arg4[%add3A_275] : memref<8192xf32, #tpu.memory_space<hbm>> -> memref<128xf32, #tpu.memory_space<hbm>>
      %dma_wait3A_286 = arith.constant 128 : i32
      %dma_wait3A_287 = tpu.memref_slice %arg8[%dma_wait3A_286] : memref<256xf32, #tpu.memory_space<vmem>> -> memref<128xf32, #tpu.memory_space<vmem>>
      tpu.wait_dma2 semaphore(%run_scoped3A : memref<!tpu.dma_semaphore, #tpu.memory_space<semaphore_mem>>) src(%dma_wait3A_287 : memref<128xf32, #tpu.memory_space<vmem>>) dst(%dma_wait3A_285 : memref<128xf32, #tpu.memory_space<hbm>>)
      tpu.yield
    }) : () -> ()
    return
  }
}

</mosaic_0001>

<sc_bundles>
// kernel: kernel.3.cloned.1.call-start
scs
__scs_entry_jumppad:
0x0: {  	(pc) =	sbr.rel $0x88, $3  }
0x1: {  	(tag) =	ssettag $0x0;
	lr =	simm.s32 $0x1  }
0x2: {  	[smem:$0x3F9E] =	sst lr;
	_ =	strace $0xD0000000  }
0x3: {  	_ = 	snop  }
0x4: {  	_ = 	snop  }
0x5: {  	_ = 	snop  }
0x6: {  	_ = 	snop  }
0x7: {  	_ = 	snop  }
__scs_overlays_trampoline_lowered:
0x8: {  	[smem:$0x3FAD] =	sst s0  }
0x9: {  	[smem:$0x3FAE] =	sst s1  }
0xa: {  	[smem:$0x3FAF] =	sst s2  }
0xb: {  	[smem:$0x3FB0] =	sst s3  }
0xc: {  	[smem:$0x3FB1] =	sst s4  }
0xd: {  	[smem:$0x3FB2] =	sst s5  }
0xe: {  	[smem:$0x3FB3] =	sst s6  }
0xf: {  	[smem:$0x3FB4] =	sst s7  }
0x10: {  	[smem:$0x3FB5] =	sst s8  }
0x11: {  	[smem:$0x3FB6] =	sst s9;
	s0 =	simm.s32 @!p0 $0x0  }
0x12: {  	s1 =	sld [smem:$0x3F9C];
	s0 =	simm.s32 @p0 $0x1  }
0x13: {  	[smem:$0x3FB7] =	sst s0;
	s0 =	simm.s32 @!p1 $0x0  }
0x14: {  	s2 =	sld [smem:$0x3F9B];
	s0 =	simm.s32 @p1 $0x1  }
0x15: {  	[smem:$0x3FB8] =	sst s0;
	s0 =	simm.s32 @!p2 $0x0  }
0x16: {  	s3 =	sld [smem:$0x3FDB];
	s0 =	simm.s32 @p2 $0x1  }
0x17: {  	s4 =	simm.s32 $0x1BF5;
	[smem:$0x3FBA] =	sst s0  }
0x18: {  	s0 =	sld [smem:$0x3F9D];
	_ =	swait.ge [sflag:s4], $0x0  }
0x19: {  	s7 =	sld [smem:$0x3F9E]  }
0x1a: {  	s8 =	sadd.s32 $0xFFFFE003, lr  }
0x1b: {  	s9 =	sadd.s32 $0xFFFFFEF7, lr;
	s5 =	simm.s32 $0xFFFFFFFF;
	p2 =	slt.u32 s8, $0xFFFFF086  }
0x1c: {  	p1 =	slt.u32 s9, $0xF7A;
	s5 =	simm.s32 @!p2 $0x0  }
0x1d: {  	s5 =	simm.s32 @p1 $0x1;
	p0 =	seq.s32 s7, s2  }
0x1e: {  	s7 =	smul.u32 @!p0 $0xF7A, s2;
	p2 =	seq.s32 @!p0 s5, $0x0  }
0x1f: {  	s9 =	smul.u32 $0xF7A, s1;
	s8 =	simm.s32 @!p0 $0x1BF5;
	p2 =	por !p2, p0  }
0x20: {  	[sflag:s8] =	ssyncset.s32 @!p0 $0xFFFFF086;
	s6 =	sadd.s32 @!p0 s3, s7;
	s7 =	simm.s32 @!p0 $0x108  }
0x21: {  	s3 =	sadd.s32 s3, s9;
	s6 =	sadd.s32 @!p0 $0x88, s6;
	s7 =	simm.s32 @p2 $0x1082  }
0x22: {  	[simem:s7], [sflag:s8] =	dma.local @!p0 [hbm:s6], $0xF7A  }
0x23: {  	s9 =	sor.u32 $0xD0000000, s2;
	s6 =	simm.s32 $0x108;
	_ =	swait.ge @!p0 [sflag:s8], $0x0  }
0x24: {  	s3 =	sadd.s32 $0x88, s3;
	s6 =	simm.s32 @!p1 $0x1082;
	[sflag:s4] =	ssyncset.s32 $0xFFFFF086  }
0x25: {  	[simem:s6], [sflag:s4] =	dma.local [hbm:s3], $0xF7A  }
0x26: {  	[smem:$0x3F9E] =	sst s1;
	(tag) =	ssettag s2;
	_ =	strace s9  }
0x27: {  	s1 =	sld [smem:$0x3FAE]  }
0x28: {  	s2 =	sld [smem:$0x3FAF]  }
0x29: {  	s4 =	sld [smem:$0x3FB1]  }
0x2a: {  	p0 =	seq.s32 s5, $0x0;
	s5 =	sld [smem:$0x3FB2]  }
0x2b: {  	s6 =	sld [smem:$0x3FB3]  }
0x2c: {  	s7 =	sld [smem:$0x3FB4]  }
0x2d: {  	s3 =	simm.s32 $0x108;
	s8 =	sld [smem:$0x3FB5]  }
0x2e: {  	s3 =	simm.s32 @!p0 $0x1082;
	s9 =	sld [smem:$0x3FB6]  }
0x2f: {  	lr =	sadd.s32 s0, s3;
	s0 =	sld [smem:$0x3FAD]  }
0x30: {  	s3 =	sld [smem:$0x3FB0]  }
0x31: {  	[smem:$0x3FB9] =	sst s10  }
0x32: {  	s10 =	sld [smem:$0x3FB7];
	_ =	sdelay $0x3  }
0x33: {  	p0 =	seq.s32 s10, $0x1;
	s10 =	sld [smem:$0x3FB9];
	_ =	sdelay $0x3  }
0x34: {  	[smem:$0x3FB9] =	sst s10  }
0x35: {  	s10 =	sld [smem:$0x3FB8];
	_ =	sdelay $0x3  }
0x36: {  	p1 =	seq.s32 s10, $0x1;
	s10 =	sld [smem:$0x3FB9];
	_ =	sdelay $0x3  }
0x37: {  	[smem:$0x3FB9] =	sst s10  }
0x38: {  	s10 =	sld [smem:$0x3FBA]  }
0x39: {  	_ = 	snop;
	(pc) =	sbr.ind lr, $3  }
0x3a: {  	_ = 	snop  }
0x3b: {  	_ = 	snop  }
0x3c: {  	p2 =	seq.s32 s10, $0x1;
	s10 =	sld [smem:$0x3FB9]  }
0x3d: {  	_ =	shalt  }
0x3e: {  	_ =	shalt  }
0x3f: {  	_ =	shalt  }
0x40: {  	_ =	shalt  }
0x41: {  	_ =	shalt  }
0x42: {  	_ =	shalt  }
0x43: {  	_ =	shalt  }
0x44: {  	_ =	shalt  }
0x45: {  	_ =	shalt  }
0x46: {  	_ =	shalt  }
0x47: {  	_ =	shalt  }
0x48: {  	_ =	shalt  }
0x49: {  	_ =	shalt  }
0x4a: {  	_ =	shalt  }
0x4b: {  	_ =	shalt  }
0x4c: {  	_ =	shalt  }
0x4d: {  	_ =	shalt  }
0x4e: {  	_ =	shalt  }
0x4f: {  	_ =	shalt  }
0x50: {  	_ =	shalt  }
0x51: {  	_ =	shalt  }
0x52: {  	_ =	shalt  }
0x53: {  	_ =	shalt  }
0x54: {  	_ =	shalt  }
0x55: {  	_ =	shalt  }
0x56: {  	_ =	shalt  }
0x57: {  	_ =	shalt  }
0x58: {  	_ =	shalt  }
0x59: {  	_ =	shalt  }
0x5a: {  	_ =	shalt  }
0x5b: {  	_ =	shalt  }
0x5c: {  	_ =	shalt  }
0x5d: {  	_ =	shalt  }
0x5e: {  	_ =	shalt  }
0x5f: {  	_ =	shalt  }
0x60: {  	_ =	shalt  }
0x61: {  	_ =	shalt  }
0x62: {  	_ =	shalt  }
0x63: {  	_ =	shalt  }
0x64: {  	_ =	shalt  }
0x65: {  	_ =	shalt  }
0x66: {  	_ =	shalt  }
0x67: {  	_ =	shalt  }
0x68: {  	_ =	shalt  }
0x69: {  	_ =	shalt  }
0x6a: {  	_ =	shalt  }
0x6b: {  	_ =	shalt  }
0x6c: {  	_ =	shalt  }
0x6d: {  	_ =	shalt  }
0x6e: {  	_ =	shalt  }
0x6f: {  	_ =	shalt  }
0x70: {  	_ =	shalt  }
0x71: {  	_ =	shalt  }
0x72: {  	_ =	shalt  }
0x73: {  	_ =	shalt  }
0x74: {  	_ =	shalt  }
0x75: {  	_ =	shalt  }
0x76: {  	_ =	shalt  }
0x77: {  	_ =	shalt  }
0x78: {  	_ =	shalt  }
0x79: {  	_ =	shalt  }
0x7a: {  	_ =	shalt  }
0x7b: {  	_ =	shalt  }
0x7c: {  	_ =	shalt  }
0x7d: {  	_ =	shalt  }
0x7e: {  	_ =	shalt  }
0x7f: {  	_ =	shalt  }
0x80: {  	_ =	shalt  }
0x81: {  	_ =	shalt  }
0x82: {  	_ =	shalt  }
0x83: {  	_ =	shalt  }
0x84: {  	_ =	shalt  }
0x85: {  	_ =	shalt  }
0x86: {  	_ =	shalt  }
0x87: {  	_ =	shalt  }
.Lfunc_end0:
.L_simem_size_0:
called_computation_lowered:
.L_overlay_start_0:
0x88: {  	s2 =	sld [smem:$0x3FD9]  }
0x89: {  	s3 =	sld [smem:$0x3FFE];
	_ =	sdelay $0x1  }
0x8a: {  	s1 =	srdreg.scid  }
0x8b: {  	s0 =	sand.u32 $0x1, s1  }
0x8c: {  	s17 =	sshll.u32 s0, $0xA;
	s2 =	sadd.s32 s3, s2  }
0x8d: {  	s2 =	sadd.s32 s2, s17  }
0x8e: {  	[smem:$0x3FC5] =	sst s2  }
0x8f: {  	_ = 	snop  }
0x90: {  	s2 =	sld [smem:$0x3FC9]  }
0x91: {  	s18 =	sld [smem:$0x3FD0];
	(tm) =	ssettm $0x1  }
0x92: {  	s4 =	sld [smem:$0x3FFB];
	_ =	sdelay $0x3  }
0x93: {  	_ =	strace s4  }
0x94: {  	s4 =	sld [smem:$0x3FFC];
	_ =	sdelay $0x3  }
0x95: {  	_ =	strace s4  }
0x96: {  	s4 =	sld [smem:$0x3FFD];
	_ =	sdelay $0x3  }
0x97: {  	_ =	strace s4  }
0x98: {  	_ =	strace $0x8FFFFFFF  }
0x99: {  	s19 =	sld [smem:$0x3FDB];
	_ =	sdelay $0x1  }
0x9a: {  	s5 =	simm.s32 $_scs_section_size  }
0x9b: {  	s6 =	simm.s32 $_size__tile_overlayer_lowered;
	s7 =	simm.s32 $_tile_overlayer_lowered  }
0x9c: {  	s22 =	simm.s32 $0x1BFF;
	s21 =	sshll.u32 s7, $0x1;
	s4 =	sadd.s32 s5, s19  }
0x9d: {  	s8 =	simm.s32 $0x0;
	s20 =	sshll.u32 s6, $0x1;
	s6 =	sadd.s32 s21, s4  }
0x9e: {  	[timem:s8], [sflag:s22] =	dma.local [hbm:s6], s20  }
0x9f: {  	_ =	swait.ge [sflag:s22], s20  }
0xa0: {  	s5 =	ssub.s32 $0x0, s20;
	[sflag:s22] =	ssyncset.done $0x0  }
0xa1: {  	[sflag:s22] =	ssyncadd.s32 s5;
	_ =	sdelay $0x1  }
0xa2: {  	s23 =	simm.s32 $0x1B8B  }
0xa3: {  	_ =	swait.ge [sflag:s23], $0x1  }
0xa4: {  	[sflag:s23] =	ssyncset.done $0x0  }
0xa5: {  	s25 =	simm.s32 $0x1B8E;
	s24 =	sld [smem:$0x3FFE];
	[sflag:s23] =	ssyncadd.s32 $0xFFFFFFFF  }
0xa6: {  	s26 =	simm.s32 $execute0_lowered;
	[smem:$0x3FD2] =	sst s25  }
0xa7: {  	s6 =	sshll.u32 s26, $0x1;
	_ =	strace $0x80000046;
	[dreg:$0x1] =	wrdreg $0xFFFFFFFF  }
0xa8: {  	s28 =	simm.s32 $_size_execute0_lowered;
	s4 =	sadd.s32 s4, s6;
	[dreg:$0x0] =	wrdreg $0x0  }
0xa9: {  	s6 =	sshll.u32 s28, $0x1;
	[dreg:$0x2] =	wrdreg s4  }
0xaa: {  	[dreg:$0x3] =	wrdreg s6  }
0xab: {  	[dreg:$0x4] =	wrdreg $0xC0  }
0xac: {  	_ =	task [dreg:s8], $0x5FFFF  }
0xad: {  	[dreg:$0x1] =	wrdreg $0xFFFFFFFF  }
0xae: {  	[dreg:$0x0] =	wrdreg $0x60  }
0xaf: {  	[dreg:$0x2] =	wrdreg s2  }
0xb0: {  	[dreg:$0x3] =	wrdreg s24  }
0xb1: {  	[dreg:$0x4] =	wrdreg s18  }
0xb2: {  	[dreg:$0x5] =	wrdreg $0x9  }
0xb3: {  	_ =	task.clear_ibuf [dreg:s8], $0x6FFFF;
	_ =	strace $0x90000046  }
0xb4: {  	s29 =	simm.s32 $0x9;
	_ =	strace $0x80000048  }
0xb5: {  	_ =	swait.ge [sflag:s29], $0x1  }
0xb6: {  	[sflag:s29] =	ssyncadd.s32 $0xFFFFFFFF  }
0xb7: {  	_ =	strace $0x90000048  }
0xb8: {  	_ =	sfence  }
0xb9: {  	s30 =	sld [smem:$0x0];
	_ =	sdelay $0x2  }
0xba: {  	s31 =	sshll.u32 s1, $0xD;
	s1 =	sshrl.u32 s1, $0x2  }
0xbb: {  	s3 =	sand.u32 $0x4000, s31;
	s1 =	sadd.s32 s1, s30  }
0xbc: {  	s0 =	sor.u32 s3, s0;
	s1 =	sshll.u32 s1, $0x11  }
0xbd: {  	s0 =	sor.u32 s1, s0  }
0xbe: {  	s0 =	sadd.s32 $0x8F2B, s0  }
0xbf: {  	[sflag:s0] =	ssyncadd.remote.s32 $0x1  }
0xc0: {  	_ =	sfence.sel $0xFFFF  }
0xc1: {  	[dreg:$0x0] =	wrdreg $0xFFFFFFFF;
	(pc) =	sbr.abs _section_cstart, $3  }
0xc2: {  	[dreg:$0x1] =	wrdreg $0xFFFFFFFF  }
0xc3: {  	_ =	task.clear_ibuf [dreg:s8], $0x2FFFF;
	_ =	strace $0x9FFFFFFF  }
0xc4: {  	(tm) =	ssettm $0x7FFFFFFF  }
0xc5: {  	_ =	shalt  }
tec
execute0_lowered:
.L_overlay_start_1:
0x0: {  	(tag) =	ssettag $0x1  }
0x1: {  	s0 =	rddreg [dreg:$0x0]  }
0x2: {  	s1 =	rddreg [dreg:$0x1]  }
0x3: {  	s14 =	rddreg [dreg:$0x2];
	s3 =	srdreg.scid  }
0x4: {  	s4 =	stileid.u32;
	s2 =	simm.s32 $0x0;
	s20 =	simm.s32 $0x400  }
0x5: {  	s21 =	simm.s32 $0x500;
	s22 =	simm.s32 $0x600;
	[smem:$0x7FF] =	sst s2  }
0x6: {  	v0 =	vimm.f32 $1.000000050e-03;
	s23 =	simm.s32 $0x700;
	s28 =	simm.s32 $0x2;
	_ =	strace $0x80000047  }
0x7: {  	s29 =	simm.s32 $0x1;
	s3 =	sand.u32 $0x1, s3;
	s4 =	sshll.u32 s4, $0x1;
	(erf) = vrcp.f32 v0  }
0x8: {  	s30 =	simm.s32 $0xB00;
	s31 =	simm.s32 $0xB80;
	s12 =	sor.u32 s3, s4  }
0x9: {  	s5 =	ssub.s32 $0x2, s3;
	s3 =	sadd.s32 $0x600, s1;
	s1 =	simm.s32 $0x0  }
0xa: {  	v2 =	vlaneseq.u32;
	s4 =	sshll.u32 s12, $0x5;
	s24 =	sshrl.u32 s5, $0x1;
	s26 =	sshll.u32 s12, $0x4  }
0xb: {  	v1 =	vimm.s32 $0xC1;
	v3 =	vimm.s32 $0xC2;
	v2 =	vmul.u32 $0x6, v2;
	s4 =	sadd.s32 s0, s4;
	s25 =	ssub.s32 s5, s24;
	s14 =	sadd.s32 s14, s26  }
0xc: {  	v4 =	vimm.s32 $0xC3;
	v5 =	vimm.s32 $0xC4;
	v6 =	vimm.s32 $0xC5;
	s24 =	simm.s32 $0x800;
	s26 =	simm.s32 $0xA00;
	s0 =	simm.s32 $0xC00  }
0xd: {  	v0 =	vimm.s32 $0xC0;
	v7 =	vadd.s32 $0x60, v2;
	v8 =	vor.u32 $0x1, v2;
	s5 =	sadd.s32 $0x400, s4;
	s6 =	sadd.s32 $0x800, s4;
	s7 =	sadd.s32 $0xC00, s4  }
0xe: {  	v9 =	vadd.s32 $0x61, v2;
	v10 =	vadd.s32 $0x2, v2;
	v11 =	vadd.s32 $0x62, v2;
	s8 =	sadd.s32 $0x1000, s4;
	s9 =	sadd.s32 $0x1400, s4;
	s10 =	sadd.s32 $0x1800, s4  }
0xf: {  	v12 =	vadd.s32 $0x3, v2;
	v13 =	vadd.s32 $0x63, v2;
	v14 =	vadd.s32 $0x4, v2;
	s11 =	sadd.s32 $0x1C00, s4;
	s12 =	sadd.s32 $0x2000, s4;
	s13 =	sadd.s32 $0x2400, s4  }
0x10: {  	v16 =	vadd.s32 $0x64, v2;
	v17 =	vadd.s32 $0x5, v2;
	v18 =	vadd.s32 $0x65, v2;
	s15 =	sadd.s32 $0x200, s14;
	s16 =	smax.u32 s25, $0x1;
	s25 =	simm.s32 $0x900;
	v15 =	vpop (erf)  }
.LBB2_1:
0x11: {  	[tilespmem:s2], [sflag:$0x1] =	stream.linear.gather [hbm4b:s4+s2], $0x100, $0x38;
	[tilespmem:$0xC80] =	vst v63  }
0x12: {  	s17 =	simm.s32 $0x100  }
0x13: {  	[tilespmem:s17], [sflag:$0x1] =	stream.linear.gather [hbm4b:s5+s2], $0x100, $0x38;
	[tilespmem:$0xC80] =	vst v63  }
0x14: {  	s18 =	simm.s32 $0x200  }
0x15: {  	[tilespmem:s18], [sflag:$0x1] =	stream.linear.gather [hbm4b:s6+s2], $0x100, $0x38;
	[tilespmem:$0xC80] =	vst v63  }
0x16: {  	s19 =	simm.s32 $0x300  }
0x17: {  	[tilespmem:s19], [sflag:$0x1] =	stream.linear.gather [hbm4b:s7+s2], $0x100, $0x38;
	[tilespmem:$0xC80] =	vst v63  }
0x18: {  	_ = 	snop  }
0x19: {  	[tilespmem:s20], [sflag:$0x1] =	stream.linear.gather [hbm4b:s8+s2], $0x100, $0x38;
	[tilespmem:$0xC80] =	vst v63  }
0x1a: {  	_ = 	snop  }
0x1b: {  	[tilespmem:s21], [sflag:$0x1] =	stream.linear.gather [hbm4b:s9+s2], $0x100, $0x38;
	[tilespmem:$0xC80] =	vst v63  }
0x1c: {  	_ = 	snop  }
0x1d: {  	[tilespmem:s22], [sflag:$0x1] =	stream.linear.gather [hbm4b:s10+s2], $0x100, $0x38;
	[tilespmem:$0xC80] =	vst v63  }
0x1e: {  	_ = 	snop  }
0x1f: {  	[tilespmem:s23], [sflag:$0x1] =	stream.linear.gather [hbm4b:s11+s2], $0x100, $0x38;
	[tilespmem:$0xC80] =	vst v63  }
0x20: {  	_ = 	snop  }
0x21: {  	[tilespmem:s24], [sflag:$0x1] =	stream.linear.gather [hbm4b:s12+s2], $0x100, $0x38;
	[tilespmem:$0xC80] =	vst v63  }
0x22: {  	_ = 	snop  }
0x23: {  	[tilespmem:s25], [sflag:$0x1] =	stream.linear.gather [hbm4b:s13+s2], $0x100, $0x38;
	[tilespmem:$0xC80] =	vst v63  }
0x24: {  	_ = 	snop  }
0x25: {  	[tilespmem:s26], [sflag:$0x2] =	stream.linear.gather [hbm4b:s3+s2], $0x100, $0x38;
	[tilespmem:$0xC80] =	vst v63  }
0x26: {  	_ =	swait.ge [sflag:s28], $0x100  }
0x27: {  	[sflag:s28] =	ssyncset.done $0x0  }
0x28: {  	[sflag:s28] =	ssyncadd.s32 $0xFFFFFF00  }
0x29: {  	_ =	swait.ge [sflag:s29], $0x100  }
0x2a: {  	[sflag:s29] =	ssyncset.done $0x0  }
0x2b: {  	[sflag:s29] =	ssyncadd.s32 $0xFFFFFF00  }
0x2c: {  	_ =	swait.ge [sflag:s29], $0x100  }
0x2d: {  	[sflag:s29] =	ssyncset.done $0x0  }
0x2e: {  	[sflag:s29] =	ssyncadd.s32 $0xFFFFFF00  }
0x2f: {  	_ =	swait.ge [sflag:s29], $0x100  }
0x30: {  	[sflag:s29] =	ssyncset.done $0x0  }
0x31: {  	[sflag:s29] =	ssyncadd.s32 $0xFFFFFF00  }
0x32: {  	_ =	swait.ge [sflag:s29], $0x100  }
0x33: {  	[sflag:s29] =	ssyncset.done $0x0  }
0x34: {  	[sflag:s29] =	ssyncadd.s32 $0xFFFFFF00  }
0x35: {  	_ =	swait.ge [sflag:s29], $0x100  }
0x36: {  	[sflag:s29] =	ssyncset.done $0x0  }
0x37: {  	[sflag:s29] =	ssyncadd.s32 $0xFFFFFF00  }
0x38: {  	_ =	swait.ge [sflag:s29], $0x100  }
0x39: {  	[sflag:s29] =	ssyncset.done $0x0  }
0x3a: {  	[sflag:s29] =	ssyncadd.s32 $0xFFFFFF00  }
0x3b: {  	_ =	swait.ge [sflag:s29], $0x100  }
0x3c: {  	[sflag:s29] =	ssyncset.done $0x0  }
0x3d: {  	[sflag:s29] =	ssyncadd.s32 $0xFFFFFF00  }
0x3e: {  	_ =	swait.ge [sflag:s29], $0x100  }
0x3f: {  	[sflag:s29] =	ssyncset.done $0x0  }
0x40: {  	[sflag:s29] =	ssyncadd.s32 $0xFFFFFF00  }
0x41: {  	_ =	swait.ge [sflag:s29], $0x100  }
0x42: {  	[sflag:s29] =	ssyncset.done $0x0  }
0x43: {  	[sflag:s29] =	ssyncadd.s32 $0xFFFFFF00  }
0x44: {  	_ =	swait.ge [sflag:s29], $0x100  }
0x45: {  	[sflag:s29] =	ssyncset.done $0x0  }
0x46: {  	[sflag:s29] =	ssyncadd.s32 $0xFFFFFF00  }
0x47: {  	v24 =	vld.idx.msk [tilespmem:v0+s26+$0x0], $0xffff  }
0x48: {  	v23 =	vld.idx.msk [tilespmem:v1+s26+$0x0], $0xffff  }
0x49: {  	v22 =	vld.idx.msk [tilespmem:v3+s26+$0x0], $0xffff  }
0x4a: {  	v21 =	vld.idx.msk [tilespmem:v4+s26+$0x0], $0xffff  }
0x4b: {  	v20 =	vld.idx.msk [tilespmem:v5+s26+$0x0], $0xffff  }
0x4c: {  	v19 =	vld.idx.msk [tilespmem:v6+s26+$0x0], $0xffff  }
0x4d: {  	v25 =	vld.idx.msk [tilespmem:v2+s26+$0x0], $0xffff  }
0x4e: {  	v26 =	vld.idx.msk [tilespmem:v7+s26+$0x0], $0xffff  }
0x4f: {  	v27 =	vld.idx.msk [tilespmem:v8+s26+$0x0], $0xffff  }
0x50: {  	v28 =	vld.idx.msk [tilespmem:v9+s26+$0x0], $0xffff  }
0x51: {  	v29 =	vld.idx.msk [tilespmem:v10+s26+$0x0], $0xffff  }
0x52: {  	v30 =	vld.idx.msk [tilespmem:v11+s26+$0x0], $0xffff;
	v25 =	vmul.f32 v25, v24  }
0x53: {  	v31 =	vld.idx.msk [tilespmem:v12+s26+$0x0], $0xffff;
	v26 =	vmul.f32 v26, v24  }
0x54: {  	v32 =	vld.idx.msk [tilespmem:v13+s26+$0x0], $0xffff;
	v27 =	vmul.f32 v27, v23;
	v25 =	vadd.f32 $0.0e+00, v25  }
0x55: {  	v33 =	vld.idx.msk [tilespmem:v14+s26+$0x0], $0xffff;
	v28 =	vmul.f32 v28, v23;
	v26 =	vadd.f32 $0.0e+00, v26  }
0x56: {  	v25 =	vadd.f32 v27, v25;
	v27 =	vmul.f32 v29, v22;
	v29 =	vld.idx.msk [tilespmem:v16+s26+$0x0], $0xffff  }
0x57: {  	v26 =	vadd.f32 v28, v26;
	v28 =	vmul.f32 v30, v22;
	v30 =	vld.idx.msk [tilespmem:v17+s26+$0x0], $0xffff  }
0x58: {  	v25 =	vadd.f32 v27, v25;
	v27 =	vmul.f32 v31, v21;
	v31 =	vld.idx.msk [tilespmem:v18+s26+$0x0], $0xffff  }
0x59: {  	v26 =	vadd.f32 v28, v26;
	v28 =	vmul.f32 v32, v21  }
0x5a: {  	v25 =	vadd.f32 v27, v25;
	v27 =	vmul.f32 v33, v20  }
0x5b: {  	v26 =	vadd.f32 v28, v26;
	v28 =	vmul.f32 v29, v20  }
0x5c: {  	v25 =	vadd.f32 v27, v25  }
0x5d: {  	v27 =	vmul.f32 v30, v19;
	v26 =	vadd.f32 v28, v26;
	v28 =	vmul.f32 v31, v19;
	_ =	sdelay $0x1  }
0x5e: {  	v25 =	vadd.f32 v27, v25;
	v26 =	vadd.f32 v28, v26;
	_ =	sdelay $0x1  }
0x5f: {  	v27 =	vmax.f32 v25, v26  }
0x60: {  	v28 =	vsub.f32 v25, v27  }
0x61: {  	v27 =	vsub.f32 v26, v27  }
0x62: {  	v28 =	vmul.f32 v28, v15  }
0x63: {  	v27 =	vmul.f32 v27, v15  }
0x64: {  	v28 =	vmul.f32 $1.442695020e+00, v28  }
0x65: {  	v27 =	vmul.f32 $1.442695020e+00, v27  }
0x66: {  	(erf) = vpow2.f32 v28  }
0x67: {  	(erf) = vpow2.f32 v27;
	_ =	sdelay $0x7  }
0x68: {  	v27 =	vpop (erf)  }
0x69: {  	v28 =	vpop (erf)  }
0x6a: {  	v29 =	vadd.f32 v28, v27;
	_ =	sdelay $0x1  }
0x6b: {  	(erf) = vrcp.f32 v29;
	_ =	sdelay $0x4  }
0x6c: {  	v26 =	vmul.f32 v28, v26  }
0x6d: {  	v25 =	vmul.f32 v27, v25;
	_ =	sdelay $0x1  }
0x6e: {  	v25 =	vadd.f32 v26, v25  }
0x6f: {  	v26 =	vpop (erf)  }
0x70: {  	v25 =	vmul.f32 v26, v25;
	_ =	sdelay $0x1  }
0x71: {  	s17 =	simm.s32 $0x0;
	[tilespmem:$0xB00] =	vst v25  }
0x72: {  	v25 =	vld [tilespmem:s17+$0x500]  }
0x73: {  	v26 =	vld [tilespmem:s17+$0x400]  }
0x74: {  	v27 =	vld [tilespmem:s17+$0x300]  }
0x75: {  	v28 =	vld [tilespmem:s17+$0x600]  }
0x76: {  	v29 =	vld [tilespmem:s17+$0x380]  }
0x77: {  	v30 =	vld [tilespmem:s17+$0x680]  }
0x78: {  	v53 =	vld [tilespmem:s17+$0x200]  }
0x79: {  	v54 =	vld [tilespmem:s17+$0x280]  }
0x7a: {  	v34 =	vld [tilespmem:s17+$0x100]  }
0x7b: {  	v35 =	vld [tilespmem:s17+$0x0]  }
0x7c: {  	v36 =	vld [tilespmem:s17+$0x80]  }
0x7d: {  	v37 =	vld [tilespmem:s17+$0x180]  }
0x7e: {  	v38 =	vld [tilespmem:s17+$0x800]  }
0x7f: {  	v39 =	vld [tilespmem:s17+$0x880];
	v25 =	vcvt.s32.f32 v25;
	v27 =	vcvt.s32.f32 v27  }
0x80: {  	v42 =	vld [tilespmem:s17+$0x480];
	v26 =	vcvt.s32.f32 v26;
	v29 =	vcvt.s32.f32 v29  }
0x81: {  	v31 =	vld [tilespmem:s17+$0x900];
	v32 =	vcvt.s32.f32 v53;
	v33 =	vcvt.s32.f32 v54  }
0x82: {  	v41 =	vld [tilespmem:s17+$0x980];
	v35 =	vcvt.s32.f32 v35;
	v28 =	vshll.u32 v28, $0x2;
	v36 =	vcvt.s32.f32 v36  }
0x83: {  	v40 =	vld [tilespmem:s17+$0x780];
	v34 =	vcvt.s32.f32 v34;
	v37 =	vcvt.s32.f32 v37;
	v30 =	vshll.u32 v30, $0x2  }
0x84: {  	v43 =	vld [tilespmem:s17+$0x700];
	v38 =	vshll.u32 v38, $0x2;
	v35 =	vmul.f32 v35, v24;
	v36 =	vmul.f32 v36, v24  }
0x85: {  	v55 =	vshll.u32 v39, $0x2;
	v58 =	vcvt.s32.f32 v42;
	v34 =	vmul.f32 v34, v23  }
0x86: {  	v56 =	vld [tilespmem:s17+$0x580];
	v37 =	vmul.f32 v37, v23;
	v35 =	vadd.f32 $0.0e+00, v35;
	v36 =	vadd.f32 $0.0e+00, v36  }
0x87: {  	v31 =	vadd.s32 v31, v38;
	v38 =	vadd.s32 v41, v55;
	v32 =	vmul.f32 v32, v22  }
0x88: {  	v33 =	vmul.f32 v33, v22;
	v34 =	vadd.f32 v34, v35;
	v57 =	vadd.f32 v37, v36  }
0x89: {  	v30 =	vadd.s32 v40, v30;
	v28 =	vadd.s32 v43, v28;
	v27 =	vmul.f32 v27, v21  }
0x8a: {  	v29 =	vmul.f32 v29, v21;
	v32 =	vadd.f32 v32, v34;
	v33 =	vadd.f32 v33, v57  }
0x8b: {  	v59 =	vcvt.s32.f32 v56;
	v26 =	vmul.f32 v26, v20  }
0x8c: {  	v60 =	vmul.f32 v58, v20;
	v31 =	vld.idx.msk [tilespmem:v31+s30+$0x0], $0xffff;
	v27 =	vadd.f32 v27, v32;
	v29 =	vadd.f32 v29, v33  }
0x8d: {  	v25 =	vmul.f32 v25, v19;
	v61 =	vld.idx.msk [tilespmem:v38+s30+$0x0], $0xffff  }
0x8e: {  	v30 =	vld.idx.msk [tilespmem:v30+s30+$0x0], $0xffff;
	v26 =	vadd.f32 v26, v27;
	v27 =	vadd.f32 v60, v29;
	v29 =	vmul.f32 v59, v19  }
0x8f: {  	v28 =	vld.idx.msk [tilespmem:v28+s30+$0x0], $0xffff  }
0x90: {  	v25 =	vadd.f32 v25, v26;
	v26 =	vadd.f32 v29, v27;
	_ =	sdelay $0x1  }
0x91: {  	v25 =	vadd.f32 v31, v25;
	v26 =	vadd.f32 v61, v26;
	_ =	sdelay $0x1  }
0x92: {  	v25 =	vsub.f32 v25, v28;
	v26 =	vsub.f32 v26, v30;
	_ =	sdelay $0x1  }
0x93: {  	v25 =	vsub.f32 v25, v26;
	_ =	sdelay $0x1  }
0x94: {  	v26 =	vmul.f32 $1.442695020e+00, v25;
	_ =	sdelay $0x1  }
0x95: {  	(erf) = vpow2.f32 v26;
	_ =	sdelay $0x4  }
0x96: {  	v28 =	vsub.f32 $0.0e+00, v25  }
0x97: {  	s18 =	simm.s32 $0x10  }
0x98: {  	v35 =	vld [tilespmem:s18+$0x0];
	v62 =	vmul.f32 $1.442695020e+00, v28  }
0x99: {  	v34 =	vld [tilespmem:s18+$0x280]  }
0x9a: {  	v32 =	vld [tilespmem:s18+$0x380];
	v63 =	vpop (erf);
	(erf) = vpow2.f32 v62  }
0x9b: {  	v33 =	vld [tilespmem:s18+$0x200]  }
0x9c: {  	v29 =	vld [tilespmem:s18+$0x400]  }
0x9d: {  	v27 =	vld [tilespmem:s18+$0x600]  }
0x9e: {  	v31 =	vld [tilespmem:s18+$0x300]  }
0x9f: {  	v30 =	vld [tilespmem:s18+$0x500]  }
0xa0: {  	v25 =	vld [tilespmem:s18+$0x900]  }
0xa1: {  	v26 =	vld [tilespmem:s18+$0x680]  }
0xa2: {  	s19 =	simm.s32 $0x80;
	v28 =	vld [tilespmem:s18+$0x100];
	v36 =	vadd.f32 $1.000000000e+00, v63  }
.LBB2_2:
0xa3: {  	p0 =	sne.s32 s19, $0x1C0;
	v37 =	vld [tilespmem:s18+$0x80];
	v38 =	vpop (erf)  }
0xa4: {  	v30 =	vcvt.s32.f32 v30;
	v39 =	vld [tilespmem:s18+$0x180];
	v38 =	vadd.f32 $1.000000000e+00, v38;
	(erf) = vrcp.f32 v36  }
0xa5: {  	v31 =	vcvt.s32.f32 v31;
	v29 =	vcvt.s32.f32 v29;
	v36 =	vld [tilespmem:s18+$0x800]  }
0xa6: {  	v32 =	vcvt.s32.f32 v32;
	v40 =	vld [tilespmem:s18+$0x880];
	(erf) = vrcp.f32 v38  }
0xa7: {  	v33 =	vcvt.s32.f32 v33;
	v34 =	vcvt.s32.f32 v34;
	v38 =	vld [tilespmem:s18+$0x780]  }
0xa8: {  	v27 =	vshll.u32 v27, $0x2;
	v35 =	vcvt.s32.f32 v35;
	v37 =	vcvt.s32.f32 v37;
	v41 =	vld [tilespmem:s18+$0x980]  }
0xa9: {  	v26 =	vshll.u32 v26, $0x2;
	v28 =	vcvt.s32.f32 v28;
	v39 =	vcvt.s32.f32 v39;
	v42 =	vld [tilespmem:s18+$0x480]  }
0xaa: {  	v35 =	vmul.f32 v35, v24;
	v43 =	vld [tilespmem:s18+$0x700];
	v36 =	vshll.u32 v36, $0x2;
	v37 =	vmul.f32 v37, v24  }
0xab: {  	v28 =	vmul.f32 v28, v23;
	v25 =	vadd.s32 v25, v36;
	v36 =	vshll.u32 v40, $0x2  }
0xac: {  	v35 =	vadd.f32 $0.0e+00, v35;
	v39 =	vmul.f32 v39, v23;
	v37 =	vadd.f32 $0.0e+00, v37;
	v40 =	vld [tilespmem:s18+$0x580]  }
0xad: {  	v33 =	vmul.f32 v33, v22;
	v26 =	vadd.s32 v38, v26;
	v36 =	vadd.s32 v41, v36;
	v38 =	vpop (erf)  }
0xae: {  	v34 =	vmul.f32 v34, v22;
	v28 =	vadd.f32 v28, v35;
	v35 =	vadd.f32 v39, v37;
	[tilespmem:s17+$0xC00] =	vst v38  }
0xaf: {  	v31 =	vmul.f32 v31, v21;
	v37 =	vcvt.s32.f32 v42;
	v27 =	vadd.s32 v43, v27;
	v38 =	vpop (erf)  }
0xb0: {  	v32 =	vmul.f32 v32, v21;
	v28 =	vadd.f32 v33, v28;
	v33 =	vadd.f32 v34, v35;
	[tilespmem:s17+$0xB80] =	vst v38;
	s17 =	smov.u32 s18  }
0xb1: {  	v29 =	vmul.f32 v29, v20;
	v25 =	vld.idx.msk [tilespmem:v25+s30+$0x0], $0xffff;
	v34 =	vcvt.s32.f32 v40  }
0xb2: {  	v28 =	vadd.f32 v31, v28;
	v31 =	vadd.f32 v32, v33;
	v32 =	vmul.f32 v37, v20;
	v33 =	vld.idx.msk [tilespmem:v36+s30+$0x0], $0xffff  }
0xb3: {  	v30 =	vmul.f32 v30, v19;
	v26 =	vld.idx.msk [tilespmem:v26+s30+$0x0], $0xffff  }
0xb4: {  	v28 =	vadd.f32 v29, v28;
	v27 =	vld.idx.msk [tilespmem:v27+s30+$0x0], $0xffff;
	v29 =	vadd.f32 v32, v31;
	v31 =	vmul.f32 v34, v19;
	_ =	sdelay $0x1  }
0xb5: {  	v28 =	vadd.f32 v30, v28;
	v29 =	vadd.f32 v31, v29;
	_ =	sdelay $0x1  }
0xb6: {  	v25 =	vadd.f32 v25, v28;
	v28 =	vadd.f32 v33, v29;
	_ =	sdelay $0x1  }
0xb7: {  	v25 =	vsub.f32 v25, v27;
	v26 =	vsub.f32 v28, v26;
	_ =	sdelay $0x1  }
0xb8: {  	v25 =	vsub.f32 v25, v26;
	_ =	sdelay $0x1  }
0xb9: {  	v26 =	vsub.f32 $0.0e+00, v25;
	v25 =	vmul.f32 $1.442695020e+00, v25  }
0xba: {  	s18 =	sshra.s32 s19, $0x2  }
0xbb: {  	v30 =	vld [tilespmem:s18+$0x500];
	v26 =	vmul.f32 $1.442695020e+00, v26;
	(erf) = vpow2.f32 v25  }
0xbc: {  	v29 =	vld [tilespmem:s18+$0x400]  }
0xbd: {  	v31 =	vld [tilespmem:s18+$0x300];
	(erf) = vpow2.f32 v26  }
0xbe: {  	v27 =	vld [tilespmem:s18+$0x600]  }
0xbf: {  	v32 =	vld [tilespmem:s18+$0x380]  }
0xc0: {  	v26 =	vld [tilespmem:s18+$0x680]  }
.Ltmp0:
0xc1: {  	v25 =	vld [tilespmem:s18+$0x900];
	(pc) =	sbr.rel @p0 .LBB2_2-.Ltmp0, $4  }
0xc2: {  	v33 =	vld [tilespmem:s18+$0x200]  }
0xc3: {  	v34 =	vld [tilespmem:s18+$0x280]  }
0xc4: {  	v28 =	vld [tilespmem:s18+$0x100];
	v36 =	vpop (erf)  }
0xc5: {  	s19 =	sadd.s32 $0x40, s19;
	v35 =	vld [tilespmem:s18+$0x0];
	v36 =	vadd.f32 $1.000000000e+00, v36  }
0xc6: {  	v37 =	vld [tilespmem:s18+$0x80];
	v30 =	vcvt.s32.f32 v30  }
0xc7: {  	v38 =	vpop (erf);
	v39 =	vld [tilespmem:s18+$0x180];
	v31 =	vcvt.s32.f32 v31;
	v29 =	vcvt.s32.f32 v29  }
0xc8: {  	v32 =	vcvt.s32.f32 v32;
	v38 =	vadd.f32 $1.000000000e+00, v38;
	(erf) = vrcp.f32 v36  }
0xc9: {  	v48 =	vld [tilespmem:s18+$0x800];
	v33 =	vcvt.s32.f32 v33;
	v34 =	vcvt.s32.f32 v34  }
0xca: {  	v40 =	vld [tilespmem:s18+$0x880];
	v31 =	vmul.f32 v31, v21;
	(erf) = vrcp.f32 v38  }
0xcb: {  	v49 =	vld [tilespmem:s18+$0x780];
	v35 =	vcvt.s32.f32 v35;
	v37 =	vcvt.s32.f32 v37  }
0xcc: {  	v27 =	vshll.u32 v27, $0x2;
	v41 =	vld [tilespmem:s18+$0x980];
	v28 =	vcvt.s32.f32 v28;
	v39 =	vcvt.s32.f32 v39  }
0xcd: {  	v26 =	vshll.u32 v26, $0x2;
	v43 =	vld [tilespmem:s18+$0x700];
	v35 =	vmul.f32 v35, v24;
	v50 =	vmul.f32 v37, v24  }
0xce: {  	v42 =	vld [tilespmem:s18+$0x480];
	v33 =	vmul.f32 v33, v22;
	v36 =	vshll.u32 v48, $0x2;
	v28 =	vmul.f32 v28, v23  }
0xcf: {  	v53 =	vld [tilespmem:s18+$0x580];
	v52 =	vmul.f32 v39, v23;
	v35 =	vadd.f32 $0.0e+00, v35;
	v24 =	vadd.f32 $0.0e+00, v50  }
0xd0: {  	v54 =	vmul.f32 v34, v22;
	v51 =	vshll.u32 v40, $0x2;
	v25 =	vadd.s32 v25, v36  }
0xd1: {  	v36 =	vadd.s32 v41, v51;
	v28 =	vadd.f32 v28, v35;
	v23 =	vadd.f32 v52, v24  }
0xd2: {  	v58 =	vmul.f32 v32, v21;
	v26 =	vadd.s32 v49, v26;
	v27 =	vadd.s32 v43, v27;
	v55 =	vpop (erf)  }
0xd3: {  	v56 =	vcvt.s32.f32 v42;
	[tilespmem:s17+$0xC00] =	vst v55;
	v57 =	vpop (erf);
	v28 =	vadd.f32 v33, v28;
	v22 =	vadd.f32 v54, v23  }
0xd4: {  	v59 =	vmul.f32 v29, v20;
	v60 =	vcvt.s32.f32 v53;
	[tilespmem:s17+$0xB80] =	vst v57  }
0xd5: {  	v20 =	vmul.f32 v56, v20;
	v25 =	vld.idx.msk [tilespmem:v25+s30+$0x0], $0xffff;
	v28 =	vadd.f32 v31, v28;
	v21 =	vadd.f32 v58, v22  }
0xd6: {  	v62 =	vmul.f32 v30, v19;
	v61 =	vld.idx.msk [tilespmem:v36+s30+$0x0], $0xffff  }
0xd7: {  	v19 =	vmul.f32 v60, v19;
	v26 =	vld.idx.msk [tilespmem:v26+s30+$0x0], $0xffff;
	v23 =	vadd.f32 v59, v28;
	v20 =	vadd.f32 v20, v21  }
0xd8: {  	v63 =	vld.idx.msk [tilespmem:v27+s30+$0x0], $0xffff  }
0xd9: {  	v23 =	vadd.f32 v62, v23;
	v19 =	vadd.f32 v19, v20;
	_ =	sdelay $0x1  }
0xda: {  	v20 =	vadd.f32 v25, v23;
	v19 =	vadd.f32 v61, v19;
	_ =	sdelay $0x1  }
0xdb: {  	v20 =	vsub.f32 v20, v63;
	v19 =	vsub.f32 v19, v26;
	_ =	sdelay $0x1  }
0xdc: {  	v19 =	vsub.f32 v20, v19;
	_ =	sdelay $0x1  }
0xdd: {  	v20 =	vsub.f32 $0.0e+00, v19  }
0xde: {  	v19 =	vmul.f32 $1.442695020e+00, v19  }
0xdf: {  	v20 =	vmul.f32 $1.442695020e+00, v20  }
0xe0: {  	(erf) = vpow2.f32 v19  }
0xe1: {  	(erf) = vpow2.f32 v20;
	_ =	sdelay $0x7  }
0xe2: {  	v19 =	vpop (erf)  }
0xe3: {  	v19 =	vadd.f32 $1.000000000e+00, v19;
	v20 =	vpop (erf)  }
0xe4: {  	v20 =	vadd.f32 $1.000000000e+00, v20  }
0xe5: {  	(erf) = vrcp.f32 v19  }
0xe6: {  	(erf) = vrcp.f32 v20;
	_ =	sdelay $0x7  }
0xe7: {  	v19 =	vpop (erf)  }
0xe8: {  	[tilespmem:s18+$0xC00] =	vst v19;
	v19 =	vpop (erf)  }
0xe9: {  	[tilespmem:s18+$0xB80] =	vst v19  }
0xea: {  	[hbm4b:s14+s2] =	stream.linear.scatter [tilespmem:s31], [sflag:$0x2], $0x80, $0x38;
	[tilespmem:$0xC80] =	vst v63  }
0xeb: {  	s1 =	sadd.s32 $0x1, s1;
	_ =	swait.ge [sflag:s28], $0x80  }
0xec: {  	p0 =	sne.s32 s1, s16;
	[sflag:s28] =	ssyncset.done $0x0  }
.Ltmp1:
0xed: {  	[sflag:s28] =	ssyncadd.s32 $0xFFFFFF80;
	(pc) =	sbr.rel @p0 .LBB2_1-.Ltmp1, $4  }
0xee: {  	[hbm4b:s15+s2] =	stream.linear.scatter [tilespmem:s0], [sflag:$0x2], $0x80, $0x38;
	[tilespmem:$0xC80] =	vst v63  }
0xef: {  	_ =	swait.ge [sflag:s28], $0x80  }
0xf0: {  	[sflag:s28] =	ssyncset.done $0x0  }
0xf1: {  	[sflag:s28] =	ssyncadd.s32 $0xFFFFFF80  }
0xf2: {  	_ =	sfence.sel $0x180000  }
0xf3: {  	[bflag:$0x0] =	sbarrier.arrive $0xFFFF  }
0xf4: {  	_ =	strace $0x90000047  }
0xf5: {  	s0 =	stileid.u32;
	[bflag:$0x2] =	sbarrier.arrive $0xFFFF  }
0xf6: {  	p0 =	sne.s32 s0, $0x0;
	s0 =	rddreg [dreg:$0x3]  }
0xf7: {  	s0 =	sadd.s32 @!p0 $0x100000, s0  }
0xf8: {  	[sflag:s0] =	ssyncadd.tile.s32 @!p0 $0x1;
	_ =	shalt  }
.Lfunc_end2:
_tile_overlayer_lowered:
.L_overlay_start_2:
0xf9: {  	(tag) =	ssettag $0x2  }
0xfa: {  	s0 =	rddreg [dreg:$0x0];
	s2 =	stileid.u32  }
0xfb: {  	s1 =	rddreg [dreg:$0x1];
	p0 =	sne.s32 s2, $0x0  }
0xfc: {  	s3 =	rddreg [dreg:$0x2];
	[bflag:$0x3] =	sbarrier.arrive $0xFFFF;
	s2 =	simm.s32 @!p0 $0x1C02  }
0xfd: {  	[timem:s3], [sflag:s2] =	dma.local @!p0 [hbm:s0], s1  }
0xfe: {  	s0 =	simm.s32 @!p0 $0x2  }
0xff: {  	_ =	swait.ge @!p0 [sflag:s0], s1  }
0x100: {  	s1 =	ssub.s32 @!p0 $0x0, s1;
	[sflag:s0] =	ssyncset.done @!p0 $0x0  }
0x101: {  	[sflag:s0] =	ssyncadd.s32 @!p0 s1  }
0x102: {  	[bflag:$0x3] =	sbarrier.arrive $0xFFFF  }
0x103: {  	_ =	shalt  }

</sc_bundles>
